<compile_context>
chip_gen: v7x
topology: tpu7x:2x2x1
jax: 0.10.2.dev20260603
libtpu: 0.0.44.dev20260713+nightly
codegen_flags: <defaults>
</compile_context>

<pallas_src>
import functools

import jax
import jax.numpy as jnp
from jax import lax
from jax.experimental import pallas as pl
from jax.experimental.pallas import tpu as pltpu
from jax.experimental.pallas import tpu_sc as plsc

NBUF = 8


@functools.lru_cache(maxsize=None)
def _make_gather(n_b, n_l, d):
    info = plsc.get_sparse_core_info()
    NC, NS, L = info.num_cores, info.num_subcores, info.num_lanes
    NW = NC * NS
    assert n_b % (NW * NBUF) == 0 and (n_b * n_l) % (NW * L) == 0
    b_per_w = n_b // NW
    per_w = b_per_w * n_l
    n_groups = b_per_w // NBUF
    mesh = plsc.VectorSubcoreMesh(core_axis_name="c", subcore_axis_name="s")

    @functools.partial(
        pl.kernel,
        mesh=mesh,
        compiler_params=pltpu.CompilerParams(use_tc_tiling_on_sc=False),
        out_type=jax.ShapeDtypeStruct((n_b, n_l, d), jnp.float32),
        scratch_types=(
            [pltpu.VMEM((per_w,), jnp.int32)]
            + [pltpu.VMEM((1, n_l, d), jnp.float32)] * NBUF
            + [pltpu.SemaphoreType.DMA] * (2 * NBUF)
        ),
    )
    def gather_kernel(idx_hbm, emb_hbm, out_hbm, idx_v, *bufs):
        rows = bufs[:NBUF]
        sg = bufs[NBUF : 2 * NBUF]
        ss = bufs[2 * NBUF : 3 * NBUF]
        wid = lax.axis_index("s") * NC + lax.axis_index("c")
        base = wid * per_w
        bbase = wid * b_per_w

        pltpu.sync_copy(idx_hbm.at[pl.ds(base, per_w)], idx_v)

        def clamp_all():
            def body(j, c):
                sl = pl.ds(j * L, L)
                idx_v[sl] = jnp.maximum(idx_v[sl], 0)
                return c

            lax.fori_loop(0, per_w // L, body, 0, unroll=8)

        def start_gather(g, b):
            pltpu.async_copy(
                emb_hbm.at[idx_v.at[pl.ds(g * n_l, n_l)]], rows[b].at[0], sg[b]
            )

        def wait_gather(g, b):
            pltpu.make_async_copy(
                emb_hbm.at[idx_v.at[pl.ds(g * n_l, n_l)]], rows[b].at[0], sg[b]
            ).wait()

        def start_store(g, b):
            pltpu.async_copy(rows[b], out_hbm.at[pl.ds(bbase + g, 1)], ss[b])

        def wait_store(g, b):
            pltpu.make_async_copy(
                rows[b], out_hbm.at[pl.ds(bbase + g, 1)], ss[b]
            ).wait()

        clamp_all()

        for j in range(NBUF):
            start_gather(j, j)
            if j >= 1:
                wait_gather(j - 1, j - 1)
                start_store(j - 1, j - 1)

        def group_body(ng, carry):
            for j in range(NBUF):
                g = ng * NBUF + j
                wait_store(g - NBUF, j)
                start_gather(g, j)
                wait_gather(g - 1, (j - 1) % NBUF)
                start_store(g - 1, (j - 1) % NBUF)
            return carry

        lax.fori_loop(1, n_groups, group_body, 0)

        last = b_per_w - 1
        wait_gather(last, NBUF - 1)
        start_store(last, NBUF - 1)
        for j in range(NBUF):
            wait_store(b_per_w - NBUF + j, j)

    return gather_kernel


def kernel(idx, emb):
    b, l = idx.shape
    d = emb.shape[1]
    flat = idx.reshape(b * l).astype(jnp.int32)
    return _make_gather(b, l, d)(flat, emb)

# --- scband reference (transcript-rebuilt; emitter-appended) ---
"""Pipeline reference for scband-positional-encoding-33268816675123 (READ-ONLY COPY).

The authoritative reference and input builder live on the scoring server;
editing this copy changes nothing except your own understanding.
"""

import jax, jax.numpy as jnp
import numpy as np

D = 64
MAX_IDX = 1000000
B, L = 4096, 200

def setup_inputs(seed: int = 0) -> dict:
    key = jax.random.key(seed)
    k_idx, k_emb = jax.random.split(key)
    idx = jax.random.randint(k_idx, (B, L), 0, MAX_IDX, dtype=jnp.int64 if jax.config.jax_enable_x64 else jnp.int32)
    emb = jax.random.normal(k_emb, (MAX_IDX, D), dtype=jnp.float32)
    return {"idx": idx, "emb": emb}

def reference(idx, emb):
    # torch: self.emb(idx.clamp_min_(0))
    idx_c = jnp.maximum(idx, 0)
    return jnp.take(emb, idx_c, axis=0)

if __name__ == "__main__":
    import jax
    _d = setup_inputs()
    print(jax.jit(kernel)(*tuple(_d.values())))

</pallas_src>

<mosaic_0001>
#map = affine_map<(d0, d1) -> (0)>
#map1 = affine_map<(d0, d1) -> (0, 0)>
#map2 = affine_map<(d0, d1) -> (0, 0, 0)>
module attributes {stable_mosaic.version = 14 : i64} {
  func.func @gather_kernel(%arg0: i32, %arg1: i32, %arg2: memref<819200xi32, #tpu.memory_space<hbm>>, %arg3: memref<1000000x64xf32, #tpu.memory_space<hbm>>, %arg4: memref<4096x200x64xf32, #tpu.memory_space<hbm>>, %arg5: memref<25600xi32, #tpu.memory_space<vmem>>, %arg6: memref<1x200x64xf32, #tpu.memory_space<vmem>>, %arg7: memref<1x200x64xf32, #tpu.memory_space<vmem>>, %arg8: memref<1x200x64xf32, #tpu.memory_space<vmem>>, %arg9: memref<1x200x64xf32, #tpu.memory_space<vmem>>, %arg10: memref<1x200x64xf32, #tpu.memory_space<vmem>>, %arg11: memref<1x200x64xf32, #tpu.memory_space<vmem>>, %arg12: memref<1x200x64xf32, #tpu.memory_space<vmem>>, %arg13: memref<1x200x64xf32, #tpu.memory_space<vmem>>, %arg14: memref<!tpu.dma_semaphore, #tpu.memory_space<semaphore_mem>>, %arg15: memref<!tpu.dma_semaphore, #tpu.memory_space<semaphore_mem>>, %arg16: memref<!tpu.dma_semaphore, #tpu.memory_space<semaphore_mem>>, %arg17: memref<!tpu.dma_semaphore, #tpu.memory_space<semaphore_mem>>, %arg18: memref<!tpu.dma_semaphore, #tpu.memory_space<semaphore_mem>>, %arg19: memref<!tpu.dma_semaphore, #tpu.memory_space<semaphore_mem>>, %arg20: memref<!tpu.dma_semaphore, #tpu.memory_space<semaphore_mem>>, %arg21: memref<!tpu.dma_semaphore, #tpu.memory_space<semaphore_mem>>, %arg22: memref<!tpu.dma_semaphore, #tpu.memory_space<semaphore_mem>>, %arg23: memref<!tpu.dma_semaphore, #tpu.memory_space<semaphore_mem>>, %arg24: memref<!tpu.dma_semaphore, #tpu.memory_space<semaphore_mem>>, %arg25: memref<!tpu.dma_semaphore, #tpu.memory_space<semaphore_mem>>, %arg26: memref<!tpu.dma_semaphore, #tpu.memory_space<semaphore_mem>>, %arg27: memref<!tpu.dma_semaphore, #tpu.memory_space<semaphore_mem>>, %arg28: memref<!tpu.dma_semaphore, #tpu.memory_space<semaphore_mem>>, %arg29: memref<!tpu.dma_semaphore, #tpu.memory_space<semaphore_mem>>) attributes {dimension_semantics = [#tpu.dimension_semantics<core_parallel>, #tpu.dimension_semantics<subcore_parallel>], iteration_bounds = array<i64: 2, 16>, scalar_prefetch = 0 : i64, scratch_operands = 25 : i64, tpu.core_type = #tpu.core_type<sc_vector_subcore>, window_params = [{transform_indices = #map}, {transform_indices = #map1}, {transform_indices = #map2}]} {
    %mul3A = arith.constant 2 : i32
    %mul3A_0 = arith.muli %arg1, %mul3A : i32
    %add3A = arith.addi %mul3A_0, %arg0 : i32
    %mul3A_1 = arith.constant 25600 : i32
    %mul3A_2 = arith.muli %add3A, %mul3A_1 : i32
    %mul3A_3 = arith.constant 128 : i32
    %mul3A_4 = arith.muli %add3A, %mul3A_3 : i32
    "tpu.region"() ({
      %run_scoped3A = tpu.sem_alloc : memref<!tpu.dma_semaphore, #tpu.memory_space<semaphore_mem>>
      %dma_start3A_302 = tpu.memref_slice %arg2[%mul3A_2] : memref<819200xi32, #tpu.memory_space<hbm>> -> memref<25600xi32, #tpu.memory_space<hbm>>
      %dma_start3A_303 = tpu.memref_slice %arg2[%mul3A_2] : memref<819200xi32, #tpu.memory_space<hbm>> -> memref<25600xi32, #tpu.memory_space<hbm>>
      tpu.enqueue_dma source(%dma_start3A_303 : memref<25600xi32, #tpu.memory_space<hbm>>) target(%arg5 : memref<25600xi32, #tpu.memory_space<vmem>>) target_semaphore(%run_scoped3A : memref<!tpu.dma_semaphore, #tpu.memory_space<semaphore_mem>>)
      %dma_wait3A_304 = tpu.memref_slice %arg2[%mul3A_2] : memref<819200xi32, #tpu.memory_space<hbm>> -> memref<25600xi32, #tpu.memory_space<hbm>>
      %dma_wait3A_305 = tpu.memref_slice %arg2[%mul3A_2] : memref<819200xi32, #tpu.memory_space<hbm>> -> memref<25600xi32, #tpu.memory_space<hbm>>
      tpu.wait_dma2 semaphore(%run_scoped3A : memref<!tpu.dma_semaphore, #tpu.memory_space<semaphore_mem>>) src(%dma_wait3A_305 : memref<25600xi32, #tpu.memory_space<hbm>>) dst(%arg5 : memref<25600xi32, #tpu.memory_space<vmem>>)
      tpu.yield
    }) : () -> ()
    %scan3A = arith.constant 0 : i32
    %scan3A_5 = arith.constant 0 : i32
    %scan3A_6 = arith.constant 1600 : i32
    %scan3A_7 = arith.addi %scan3A_5, %scan3A_6 : i32
    %scan3A_8 = arith.constant 8 : i32
    scf.for %scan3A_302 = %scan3A_5 to %scan3A_7 step %scan3A_8  : i32 {
      %mul3A_303 = arith.constant 16 : i32
      %mul3A_304 = arith.muli %scan3A_302, %mul3A_303 : i32
      %get3A = arith.index_cast %mul3A_304 : i32 to index
      %get3A_305 = tpu.vector_load %arg5[%get3A] {strides = array<i32>} : memref<25600xi32, #tpu.memory_space<vmem>>, vector<16xi32>,
      %get3A_306 = vector.shape_cast %get3A_305 : vector<16xi32> to vector<16xi32>
      %max3A = arith.constant 0 : i32
      %max3A_307 = vector.broadcast %max3A : i32 to vector<16xi32>
      %max3A_308 = arith.maxsi %get3A_306, %max3A_307 : vector<16xi32>
      %swap3A = arith.index_cast %mul3A_304 : i32 to index
      %swap3A_309 = tpu.vector_load %arg5[%swap3A] {strides = array<i32>} : memref<25600xi32, #tpu.memory_space<vmem>>, vector<16xi32>,
      %swap3A_310 = vector.shape_cast %swap3A_309 : vector<16xi32> to vector<16xi32>
      %swap3A_311 = vector.shape_cast %max3A_308 : vector<16xi32> to vector<16xi32>
      tpu.vector_store %arg5[%swap3A], %swap3A_311 {strides = array<i32>} : memref<25600xi32, #tpu.memory_space<vmem>>, vector<16xi32>,
      %scan3A_312 = arith.constant 1 : i32
      %scan3A_313 = arith.addi %scan3A_302, %scan3A_312 : i32
      %mul3A_314 = arith.constant 16 : i32
      %mul3A_315 = arith.muli %scan3A_313, %mul3A_314 : i32
      %get3A_316 = arith.index_cast %mul3A_315 : i32 to index
      %get3A_317 = tpu.vector_load %arg5[%get3A_316] {strides = array<i32>} : memref<25600xi32, #tpu.memory_space<vmem>>, vector<16xi32>,
      %get3A_318 = vector.shape_cast %get3A_317 : vector<16xi32> to vector<16xi32>
      %max3A_319 = arith.constant 0 : i32
      %max3A_320 = vector.broadcast %max3A_319 : i32 to vector<16xi32>
      %max3A_321 = arith.maxsi %get3A_318, %max3A_320 : vector<16xi32>
      %swap3A_322 = arith.index_cast %mul3A_315 : i32 to index
      %swap3A_323 = tpu.vector_load %arg5[%swap3A_322] {strides = array<i32>} : memref<25600xi32, #tpu.memory_space<vmem>>, vector<16xi32>,
      %swap3A_324 = vector.shape_cast %swap3A_323 : vector<16xi32> to vector<16xi32>
      %swap3A_325 = vector.shape_cast %max3A_321 : vector<16xi32> to vector<16xi32>
      tpu.vector_store %arg5[%swap3A_322], %swap3A_325 {strides = array<i32>} : memref<25600xi32, #tpu.memory_space<vmem>>, vector<16xi32>,
      %scan3A_326 = arith.constant 2 : i32
      %scan3A_327 = arith.addi %scan3A_302, %scan3A_326 : i32
      %mul3A_328 = arith.constant 16 : i32
      %mul3A_329 = arith.muli %scan3A_327, %mul3A_328 : i32
      %get3A_330 = arith.index_cast %mul3A_329 : i32 to index
      %get3A_331 = tpu.vector_load %arg5[%get3A_330] {strides = array<i32>} : memref<25600xi32, #tpu.memory_space<vmem>>, vector<16xi32>,
      %get3A_332 = vector.shape_cast %get3A_331 : vector<16xi32> to vector<16xi32>
      %max3A_333 = arith.constant 0 : i32
      %max3A_334 = vector.broadcast %max3A_333 : i32 to vector<16xi32>
      %max3A_335 = arith.maxsi %get3A_332, %max3A_334 : vector<16xi32>
      %swap3A_336 = arith.index_cast %mul3A_329 : i32 to index
      %swap3A_337 = tpu.vector_load %arg5[%swap3A_336] {strides = array<i32>} : memref<25600xi32, #tpu.memory_space<vmem>>, vector<16xi32>,
      %swap3A_338 = vector.shape_cast %swap3A_337 : vector<16xi32> to vector<16xi32>
      %swap3A_339 = vector.shape_cast %max3A_335 : vector<16xi32> to vector<16xi32>
      tpu.vector_store %arg5[%swap3A_336], %swap3A_339 {strides = array<i32>} : memref<25600xi32, #tpu.memory_space<vmem>>, vector<16xi32>,
      %scan3A_340 = arith.constant 3 : i32
      %scan3A_341 = arith.addi %scan3A_302, %scan3A_340 : i32
      %mul3A_342 = arith.constant 16 : i32
      %mul3A_343 = arith.muli %scan3A_341, %mul3A_342 : i32
      %get3A_344 = arith.index_cast %mul3A_343 : i32 to index
      %get3A_345 = tpu.vector_load %arg5[%get3A_344] {strides = array<i32>} : memref<25600xi32, #tpu.memory_space<vmem>>, vector<16xi32>,
      %get3A_346 = vector.shape_cast %get3A_345 : vector<16xi32> to vector<16xi32>
      %max3A_347 = arith.constant 0 : i32
      %max3A_348 = vector.broadcast %max3A_347 : i32 to vector<16xi32>
      %max3A_349 = arith.maxsi %get3A_346, %max3A_348 : vector<16xi32>
      %swap3A_350 = arith.index_cast %mul3A_343 : i32 to index
      %swap3A_351 = tpu.vector_load %arg5[%swap3A_350] {strides = array<i32>} : memref<25600xi32, #tpu.memory_space<vmem>>, vector<16xi32>,
      %swap3A_352 = vector.shape_cast %swap3A_351 : vector<16xi32> to vector<16xi32>
      %swap3A_353 = vector.shape_cast %max3A_349 : vector<16xi32> to vector<16xi32>
      tpu.vector_store %arg5[%swap3A_350], %swap3A_353 {strides = array<i32>} : memref<25600xi32, #tpu.memory_space<vmem>>, vector<16xi32>,
      %scan3A_354 = arith.constant 4 : i32
      %scan3A_355 = arith.addi %scan3A_302, %scan3A_354 : i32
      %mul3A_356 = arith.constant 16 : i32
      %mul3A_357 = arith.muli %scan3A_355, %mul3A_356 : i32
      %get3A_358 = arith.index_cast %mul3A_357 : i32 to index
      %get3A_359 = tpu.vector_load %arg5[%get3A_358] {strides = array<i32>} : memref<25600xi32, #tpu.memory_space<vmem>>, vector<16xi32>,
      %get3A_360 = vector.shape_cast %get3A_359 : vector<16xi32> to vector<16xi32>
      %max3A_361 = arith.constant 0 : i32
      %max3A_362 = vector.broadcast %max3A_361 : i32 to vector<16xi32>
      %max3A_363 = arith.maxsi %get3A_360, %max3A_362 : vector<16xi32>
      %swap3A_364 = arith.index_cast %mul3A_357 : i32 to index
      %swap3A_365 = tpu.vector_load %arg5[%swap3A_364] {strides = array<i32>} : memref<25600xi32, #tpu.memory_space<vmem>>, vector<16xi32>,
      %swap3A_366 = vector.shape_cast %swap3A_365 : vector<16xi32> to vector<16xi32>
      %swap3A_367 = vector.shape_cast %max3A_363 : vector<16xi32> to vector<16xi32>
      tpu.vector_store %arg5[%swap3A_364], %swap3A_367 {strides = array<i32>} : memref<25600xi32, #tpu.memory_space<vmem>>, vector<16xi32>,
      %scan3A_368 = arith.constant 5 : i32
      %scan3A_369 = arith.addi %scan3A_302, %scan3A_368 : i32
      %mul3A_370 = arith.constant 16 : i32
      %mul3A_371 = arith.muli %scan3A_369, %mul3A_370 : i32
      %get3A_372 = arith.index_cast %mul3A_371 : i32 to index
      %get3A_373 = tpu.vector_load %arg5[%get3A_372] {strides = array<i32>} : memref<25600xi32, #tpu.memory_space<vmem>>, vector<16xi32>,
      %get3A_374 = vector.shape_cast %get3A_373 : vector<16xi32> to vector<16xi32>
      %max3A_375 = arith.constant 0 : i32
      %max3A_376 = vector.broadcast %max3A_375 : i32 to vector<16xi32>
      %max3A_377 = arith.maxsi %get3A_374, %max3A_376 : vector<16xi32>
      %swap3A_378 = arith.index_cast %mul3A_371 : i32 to index
      %swap3A_379 = tpu.vector_load %arg5[%swap3A_378] {strides = array<i32>} : memref<25600xi32, #tpu.memory_space<vmem>>, vector<16xi32>,
      %swap3A_380 = vector.shape_cast %swap3A_379 : vector<16xi32> to vector<16xi32>
      %swap3A_381 = vector.shape_cast %max3A_377 : vector<16xi32> to vector<16xi32>
      tpu.vector_store %arg5[%swap3A_378], %swap3A_381 {strides = array<i32>} : memref<25600xi32, #tpu.memory_space<vmem>>, vector<16xi32>,
      %scan3A_382 = arith.constant 6 : i32
      %scan3A_383 = arith.addi %scan3A_302, %scan3A_382 : i32
      %mul3A_384 = arith.constant 16 : i32
      %mul3A_385 = arith.muli %scan3A_383, %mul3A_384 : i32
      %get3A_386 = arith.index_cast %mul3A_385 : i32 to index
      %get3A_387 = tpu.vector_load %arg5[%get3A_386] {strides = array<i32>} : memref<25600xi32, #tpu.memory_space<vmem>>, vector<16xi32>,
      %get3A_388 = vector.shape_cast %get3A_387 : vector<16xi32> to vector<16xi32>
      %max3A_389 = arith.constant 0 : i32
      %max3A_390 = vector.broadcast %max3A_389 : i32 to vector<16xi32>
      %max3A_391 = arith.maxsi %get3A_388, %max3A_390 : vector<16xi32>
      %swap3A_392 = arith.index_cast %mul3A_385 : i32 to index
      %swap3A_393 = tpu.vector_load %arg5[%swap3A_392] {strides = array<i32>} : memref<25600xi32, #tpu.memory_space<vmem>>, vector<16xi32>,
      %swap3A_394 = vector.shape_cast %swap3A_393 : vector<16xi32> to vector<16xi32>
      %swap3A_395 = vector.shape_cast %max3A_391 : vector<16xi32> to vector<16xi32>
      tpu.vector_store %arg5[%swap3A_392], %swap3A_395 {strides = array<i32>} : memref<25600xi32, #tpu.memory_space<vmem>>, vector<16xi32>,
      %scan3A_396 = arith.constant 7 : i32
      %scan3A_397 = arith.addi %scan3A_302, %scan3A_396 : i32
      %mul3A_398 = arith.constant 16 : i32
      %mul3A_399 = arith.muli %scan3A_397, %mul3A_398 : i32
      %get3A_400 = arith.index_cast %mul3A_399 : i32 to index
      %get3A_401 = tpu.vector_load %arg5[%get3A_400] {strides = array<i32>} : memref<25600xi32, #tpu.memory_space<vmem>>, vector<16xi32>,
      %get3A_402 = vector.shape_cast %get3A_401 : vector<16xi32> to vector<16xi32>
      %max3A_403 = arith.constant 0 : i32
      %max3A_404 = vector.broadcast %max3A_403 : i32 to vector<16xi32>
      %max3A_405 = arith.maxsi %get3A_402, %max3A_404 : vector<16xi32>
      %swap3A_406 = arith.index_cast %mul3A_399 : i32 to index
      %swap3A_407 = tpu.vector_load %arg5[%swap3A_406] {strides = array<i32>} : memref<25600xi32, #tpu.memory_space<vmem>>, vector<16xi32>,
      %swap3A_408 = vector.shape_cast %swap3A_407 : vector<16xi32> to vector<16xi32>
      %swap3A_409 = vector.shape_cast %max3A_405 : vector<16xi32> to vector<16xi32>
      tpu.vector_store %arg5[%swap3A_406], %swap3A_409 {strides = array<i32>} : memref<25600xi32, #tpu.memory_space<vmem>>, vector<16xi32>,
    }
    %scan3A_9 = arith.constant 1600 : i32
    %dma_start3A = arith.constant 0 : i32
    %dma_start3A_10 = arith.constant 0 : i32
    %dma_start3A_11 = arith.constant 0 : i32
    %dma_start3A_12 = tpu.memref_slice %arg6[%dma_start3A, %dma_start3A_10, %dma_start3A_11] : memref<1x200x64xf32, #tpu.memory_space<vmem>> -> memref<1x200x64xf32, #tpu.memory_space<vmem>>
    %dma_start3A_13 = tpu.memref_squeeze %dma_start3A_12 : memref<1x200x64xf32, #tpu.memory_space<vmem>> -> memref<200x64xf32, #tpu.memory_space<vmem>>
    %dma_start3A_14 = arith.constant 0 : i32
    %dma_start3A_15 = tpu.memref_slice %arg5[%dma_start3A_14] : memref<25600xi32, #tpu.memory_space<vmem>> -> memref<200xi32, #tpu.memory_space<vmem>>
    %dma_start3A_16 = arith.constant 0 : i32
    %dma_start3A_17 = arith.constant 0 : i32
    %dma_start3A_18 = tpu.memref_slice %arg3[%dma_start3A_16, %dma_start3A_17] : memref<1000000x64xf32, #tpu.memory_space<hbm>> -> memref<1000000x64xf32, #tpu.memory_space<hbm>>
    tpu.enqueue_indirect_dma source(%dma_start3A_18 : memref<1000000x64xf32, #tpu.memory_space<hbm>>) target(%dma_start3A_13 : memref<200x64xf32, #tpu.memory_space<vmem>>) offsets(%dma_start3A_15 : memref<200xi32, #tpu.memory_space<vmem>>) semaphore(%arg14 : memref<!tpu.dma_semaphore, #tpu.memory_space<semaphore_mem>>)
    %dma_start3A_19 = arith.constant 0 : i32
    %dma_start3A_20 = arith.constant 0 : i32
    %dma_start3A_21 = arith.constant 0 : i32
    %dma_start3A_22 = tpu.memref_slice %arg7[%dma_start3A_19, %dma_start3A_20, %dma_start3A_21] : memref<1x200x64xf32, #tpu.memory_space<vmem>> -> memref<1x200x64xf32, #tpu.memory_space<vmem>>
    %dma_start3A_23 = tpu.memref_squeeze %dma_start3A_22 : memref<1x200x64xf32, #tpu.memory_space<vmem>> -> memref<200x64xf32, #tpu.memory_space<vmem>>
    %dma_start3A_24 = arith.constant 200 : i32
    %dma_start3A_25 = tpu.memref_slice %arg5[%dma_start3A_24] : memref<25600xi32, #tpu.memory_space<vmem>> -> memref<200xi32, #tpu.memory_space<vmem>>
    %dma_start3A_26 = arith.constant 0 : i32
    %dma_start3A_27 = arith.constant 0 : i32
    %dma_start3A_28 = tpu.memref_slice %arg3[%dma_start3A_26, %dma_start3A_27] : memref<1000000x64xf32, #tpu.memory_space<hbm>> -> memref<1000000x64xf32, #tpu.memory_space<hbm>>
    tpu.enqueue_indirect_dma source(%dma_start3A_28 : memref<1000000x64xf32, #tpu.memory_space<hbm>>) target(%dma_start3A_23 : memref<200x64xf32, #tpu.memory_space<vmem>>) offsets(%dma_start3A_25 : memref<200xi32, #tpu.memory_space<vmem>>) semaphore(%arg15 : memref<!tpu.dma_semaphore, #tpu.memory_space<semaphore_mem>>)
    %dma_wait3A = arith.constant 0 : i32
    %dma_wait3A_29 = arith.constant 0 : i32
    %dma_wait3A_30 = arith.constant 0 : i32
    %dma_wait3A_31 = tpu.memref_slice %arg6[%dma_wait3A, %dma_wait3A_29, %dma_wait3A_30] : memref<1x200x64xf32, #tpu.memory_space<vmem>> -> memref<1x200x64xf32, #tpu.memory_space<vmem>>
    %dma_wait3A_32 = tpu.memref_squeeze %dma_wait3A_31 : memref<1x200x64xf32, #tpu.memory_space<vmem>> -> memref<200x64xf32, #tpu.memory_space<vmem>>
    %dma_wait3A_33 = arith.constant 0 : i32
    %dma_wait3A_34 = tpu.memref_slice %arg5[%dma_wait3A_33] : memref<25600xi32, #tpu.memory_space<vmem>> -> memref<200xi32, #tpu.memory_space<vmem>>
    %dma_wait3A_35 = arith.constant 0 : i32
    %dma_wait3A_36 = arith.constant 0 : i32
    %dma_wait3A_37 = tpu.memref_slice %arg3[%dma_wait3A_35, %dma_wait3A_36] : memref<1000000x64xf32, #tpu.memory_space<hbm>> -> memref<1000000x64xf32, #tpu.memory_space<hbm>>
    tpu.wait_indirect_dma semaphore(%arg14 : memref<!tpu.dma_semaphore, #tpu.memory_space<semaphore_mem>>) src(%dma_wait3A_37 : memref<1000000x64xf32, #tpu.memory_space<hbm>>) dst(%dma_wait3A_32 : memref<200x64xf32, #tpu.memory_space<vmem>>)
    %add3A_38 = arith.constant 0 : i32
    %add3A_39 = arith.addi %mul3A_4, %add3A_38 : i32
    %dma_start3A_40 = arith.constant 0 : i32
    %dma_start3A_41 = arith.constant 0 : i32
    %dma_start3A_42 = tpu.memref_slice %arg4[%add3A_39, %dma_start3A_40, %dma_start3A_41] : memref<4096x200x64xf32, #tpu.memory_space<hbm>> -> memref<1x200x64xf32, #tpu.memory_space<hbm>>
    %dma_start3A_43 = arith.constant 0 : i32
    %dma_start3A_44 = arith.constant 0 : i32
    %dma_start3A_45 = tpu.memref_slice %arg4[%add3A_39, %dma_start3A_43, %dma_start3A_44] : memref<4096x200x64xf32, #tpu.memory_space<hbm>> -> memref<1x200x64xf32, #tpu.memory_space<hbm>>
    tpu.enqueue_dma source(%arg6 : memref<1x200x64xf32, #tpu.memory_space<vmem>>) target(%dma_start3A_45 : memref<1x200x64xf32, #tpu.memory_space<hbm>>) target_semaphore(%arg22 : memref<!tpu.dma_semaphore, #tpu.memory_space<semaphore_mem>>)
    %dma_start3A_46 = arith.constant 0 : i32
    %dma_start3A_47 = arith.constant 0 : i32
    %dma_start3A_48 = arith.constant 0 : i32
    %dma_start3A_49 = tpu.memref_slice %arg8[%dma_start3A_46, %dma_start3A_47, %dma_start3A_48] : memref<1x200x64xf32, #tpu.memory_space<vmem>> -> memref<1x200x64xf32, #tpu.memory_space<vmem>>
    %dma_start3A_50 = tpu.memref_squeeze %dma_start3A_49 : memref<1x200x64xf32, #tpu.memory_space<vmem>> -> memref<200x64xf32, #tpu.memory_space<vmem>>
    %dma_start3A_51 = arith.constant 400 : i32
    %dma_start3A_52 = tpu.memref_slice %arg5[%dma_start3A_51] : memref<25600xi32, #tpu.memory_space<vmem>> -> memref<200xi32, #tpu.memory_space<vmem>>
    %dma_start3A_53 = arith.constant 0 : i32
    %dma_start3A_54 = arith.constant 0 : i32
    %dma_start3A_55 = tpu.memref_slice %arg3[%dma_start3A_53, %dma_start3A_54] : memref<1000000x64xf32, #tpu.memory_space<hbm>> -> memref<1000000x64xf32, #tpu.memory_space<hbm>>
    tpu.enqueue_indirect_dma source(%dma_start3A_55 : memref<1000000x64xf32, #tpu.memory_space<hbm>>) target(%dma_start3A_50 : memref<200x64xf32, #tpu.memory_space<vmem>>) offsets(%dma_start3A_52 : memref<200xi32, #tpu.memory_space<vmem>>) semaphore(%arg16 : memref<!tpu.dma_semaphore, #tpu.memory_space<semaphore_mem>>)
    %dma_wait3A_56 = arith.constant 0 : i32
    %dma_wait3A_57 = arith.constant 0 : i32
    %dma_wait3A_58 = arith.constant 0 : i32
    %dma_wait3A_59 = tpu.memref_slice %arg7[%dma_wait3A_56, %dma_wait3A_57, %dma_wait3A_58] : memref<1x200x64xf32, #tpu.memory_space<vmem>> -> memref<1x200x64xf32, #tpu.memory_space<vmem>>
    %dma_wait3A_60 = tpu.memref_squeeze %dma_wait3A_59 : memref<1x200x64xf32, #tpu.memory_space<vmem>> -> memref<200x64xf32, #tpu.memory_space<vmem>>
    %dma_wait3A_61 = arith.constant 200 : i32
    %dma_wait3A_62 = tpu.memref_slice %arg5[%dma_wait3A_61] : memref<25600xi32, #tpu.memory_space<vmem>> -> memref<200xi32, #tpu.memory_space<vmem>>
    %dma_wait3A_63 = arith.constant 0 : i32
    %dma_wait3A_64 = arith.constant 0 : i32
    %dma_wait3A_65 = tpu.memref_slice %arg3[%dma_wait3A_63, %dma_wait3A_64] : memref<1000000x64xf32, #tpu.memory_space<hbm>> -> memref<1000000x64xf32, #tpu.memory_space<hbm>>
    tpu.wait_indirect_dma semaphore(%arg15 : memref<!tpu.dma_semaphore, #tpu.memory_space<semaphore_mem>>) src(%dma_wait3A_65 : memref<1000000x64xf32, #tpu.memory_space<hbm>>) dst(%dma_wait3A_60 : memref<200x64xf32, #tpu.memory_space<vmem>>)
    %add3A_66 = arith.constant 1 : i32
    %add3A_67 = arith.addi %mul3A_4, %add3A_66 : i32
    %dma_start3A_68 = arith.constant 0 : i32
    %dma_start3A_69 = arith.constant 0 : i32
    %dma_start3A_70 = tpu.memref_slice %arg4[%add3A_67, %dma_start3A_68, %dma_start3A_69] : memref<4096x200x64xf32, #tpu.memory_space<hbm>> -> memref<1x200x64xf32, #tpu.memory_space<hbm>>
    %dma_start3A_71 = arith.constant 0 : i32
    %dma_start3A_72 = arith.constant 0 : i32
    %dma_start3A_73 = tpu.memref_slice %arg4[%add3A_67, %dma_start3A_71, %dma_start3A_72] : memref<4096x200x64xf32, #tpu.memory_space<hbm>> -> memref<1x200x64xf32, #tpu.memory_space<hbm>>
    tpu.enqueue_dma source(%arg7 : memref<1x200x64xf32, #tpu.memory_space<vmem>>) target(%dma_start3A_73 : memref<1x200x64xf32, #tpu.memory_space<hbm>>) target_semaphore(%arg23 : memref<!tpu.dma_semaphore, #tpu.memory_space<semaphore_mem>>)
    %dma_start3A_74 = arith.constant 0 : i32
    %dma_start3A_75 = arith.constant 0 : i32
    %dma_start3A_76 = arith.constant 0 : i32
    %dma_start3A_77 = tpu.memref_slice %arg9[%dma_start3A_74, %dma_start3A_75, %dma_start3A_76] : memref<1x200x64xf32, #tpu.memory_space<vmem>> -> memref<1x200x64xf32, #tpu.memory_space<vmem>>
    %dma_start3A_78 = tpu.memref_squeeze %dma_start3A_77 : memref<1x200x64xf32, #tpu.memory_space<vmem>> -> memref<200x64xf32, #tpu.memory_space<vmem>>
    %dma_start3A_79 = arith.constant 600 : i32
    %dma_start3A_80 = tpu.memref_slice %arg5[%dma_start3A_79] : memref<25600xi32, #tpu.memory_space<vmem>> -> memref<200xi32, #tpu.memory_space<vmem>>
    %dma_start3A_81 = arith.constant 0 : i32
    %dma_start3A_82 = arith.constant 0 : i32
    %dma_start3A_83 = tpu.memref_slice %arg3[%dma_start3A_81, %dma_start3A_82] : memref<1000000x64xf32, #tpu.memory_space<hbm>> -> memref<1000000x64xf32, #tpu.memory_space<hbm>>
    tpu.enqueue_indirect_dma source(%dma_start3A_83 : memref<1000000x64xf32, #tpu.memory_space<hbm>>) target(%dma_start3A_78 : memref<200x64xf32, #tpu.memory_space<vmem>>) offsets(%dma_start3A_80 : memref<200xi32, #tpu.memory_space<vmem>>) semaphore(%arg17 : memref<!tpu.dma_semaphore, #tpu.memory_space<semaphore_mem>>)
    %dma_wait3A_84 = arith.constant 0 : i32
    %dma_wait3A_85 = arith.constant 0 : i32
    %dma_wait3A_86 = arith.constant 0 : i32
    %dma_wait3A_87 = tpu.memref_slice %arg8[%dma_wait3A_84, %dma_wait3A_85, %dma_wait3A_86] : memref<1x200x64xf32, #tpu.memory_space<vmem>> -> memref<1x200x64xf32, #tpu.memory_space<vmem>>
    %dma_wait3A_88 = tpu.memref_squeeze %dma_wait3A_87 : memref<1x200x64xf32, #tpu.memory_space<vmem>> -> memref<200x64xf32, #tpu.memory_space<vmem>>
    %dma_wait3A_89 = arith.constant 400 : i32
    %dma_wait3A_90 = tpu.memref_slice %arg5[%dma_wait3A_89] : memref<25600xi32, #tpu.memory_space<vmem>> -> memref<200xi32, #tpu.memory_space<vmem>>
    %dma_wait3A_91 = arith.constant 0 : i32
    %dma_wait3A_92 = arith.constant 0 : i32
    %dma_wait3A_93 = tpu.memref_slice %arg3[%dma_wait3A_91, %dma_wait3A_92] : memref<1000000x64xf32, #tpu.memory_space<hbm>> -> memref<1000000x64xf32, #tpu.memory_space<hbm>>
    tpu.wait_indirect_dma semaphore(%arg16 : memref<!tpu.dma_semaphore, #tpu.memory_space<semaphore_mem>>) src(%dma_wait3A_93 : memref<1000000x64xf32, #tpu.memory_space<hbm>>) dst(%dma_wait3A_88 : memref<200x64xf32, #tpu.memory_space<vmem>>)
    %add3A_94 = arith.constant 2 : i32
    %add3A_95 = arith.addi %mul3A_4, %add3A_94 : i32
    %dma_start3A_96 = arith.constant 0 : i32
    %dma_start3A_97 = arith.constant 0 : i32
    %dma_start3A_98 = tpu.memref_slice %arg4[%add3A_95, %dma_start3A_96, %dma_start3A_97] : memref<4096x200x64xf32, #tpu.memory_space<hbm>> -> memref<1x200x64xf32, #tpu.memory_space<hbm>>
    %dma_start3A_99 = arith.constant 0 : i32
    %dma_start3A_100 = arith.constant 0 : i32
    %dma_start3A_101 = tpu.memref_slice %arg4[%add3A_95, %dma_start3A_99, %dma_start3A_100] : memref<4096x200x64xf32, #tpu.memory_space<hbm>> -> memref<1x200x64xf32, #tpu.memory_space<hbm>>
    tpu.enqueue_dma source(%arg8 : memref<1x200x64xf32, #tpu.memory_space<vmem>>) target(%dma_start3A_101 : memref<1x200x64xf32, #tpu.memory_space<hbm>>) target_semaphore(%arg24 : memref<!tpu.dma_semaphore, #tpu.memory_space<semaphore_mem>>)
    %dma_start3A_102 = arith.constant 0 : i32
    %dma_start3A_103 = arith.constant 0 : i32
    %dma_start3A_104 = arith.constant 0 : i32
    %dma_start3A_105 = tpu.memref_slice %arg10[%dma_start3A_102, %dma_start3A_103, %dma_start3A_104] : memref<1x200x64xf32, #tpu.memory_space<vmem>> -> memref<1x200x64xf32, #tpu.memory_space<vmem>>
    %dma_start3A_106 = tpu.memref_squeeze %dma_start3A_105 : memref<1x200x64xf32, #tpu.memory_space<vmem>> -> memref<200x64xf32, #tpu.memory_space<vmem>>
    %dma_start3A_107 = arith.constant 800 : i32
    %dma_start3A_108 = tpu.memref_slice %arg5[%dma_start3A_107] : memref<25600xi32, #tpu.memory_space<vmem>> -> memref<200xi32, #tpu.memory_space<vmem>>
    %dma_start3A_109 = arith.constant 0 : i32
    %dma_start3A_110 = arith.constant 0 : i32
    %dma_start3A_111 = tpu.memref_slice %arg3[%dma_start3A_109, %dma_start3A_110] : memref<1000000x64xf32, #tpu.memory_space<hbm>> -> memref<1000000x64xf32, #tpu.memory_space<hbm>>
    tpu.enqueue_indirect_dma source(%dma_start3A_111 : memref<1000000x64xf32, #tpu.memory_space<hbm>>) target(%dma_start3A_106 : memref<200x64xf32, #tpu.memory_space<vmem>>) offsets(%dma_start3A_108 : memref<200xi32, #tpu.memory_space<vmem>>) semaphore(%arg18 : memref<!tpu.dma_semaphore, #tpu.memory_space<semaphore_mem>>)
    %dma_wait3A_112 = arith.constant 0 : i32
    %dma_wait3A_113 = arith.constant 0 : i32
    %dma_wait3A_114 = arith.constant 0 : i32
    %dma_wait3A_115 = tpu.memref_slice %arg9[%dma_wait3A_112, %dma_wait3A_113, %dma_wait3A_114] : memref<1x200x64xf32, #tpu.memory_space<vmem>> -> memref<1x200x64xf32, #tpu.memory_space<vmem>>
    %dma_wait3A_116 = tpu.memref_squeeze %dma_wait3A_115 : memref<1x200x64xf32, #tpu.memory_space<vmem>> -> memref<200x64xf32, #tpu.memory_space<vmem>>
    %dma_wait3A_117 = arith.constant 600 : i32
    %dma_wait3A_118 = tpu.memref_slice %arg5[%dma_wait3A_117] : memref<25600xi32, #tpu.memory_space<vmem>> -> memref<200xi32, #tpu.memory_space<vmem>>
    %dma_wait3A_119 = arith.constant 0 : i32
    %dma_wait3A_120 = arith.constant 0 : i32
    %dma_wait3A_121 = tpu.memref_slice %arg3[%dma_wait3A_119, %dma_wait3A_120] : memref<1000000x64xf32, #tpu.memory_space<hbm>> -> memref<1000000x64xf32, #tpu.memory_space<hbm>>
    tpu.wait_indirect_dma semaphore(%arg17 : memref<!tpu.dma_semaphore, #tpu.memory_space<semaphore_mem>>) src(%dma_wait3A_121 : memref<1000000x64xf32, #tpu.memory_space<hbm>>) dst(%dma_wait3A_116 : memref<200x64xf32, #tpu.memory_space<vmem>>)
    %add3A_122 = arith.constant 3 : i32
    %add3A_123 = arith.addi %mul3A_4, %add3A_122 : i32
    %dma_start3A_124 = arith.constant 0 : i32
    %dma_start3A_125 = arith.constant 0 : i32
    %dma_start3A_126 = tpu.memref_slice %arg4[%add3A_123, %dma_start3A_124, %dma_start3A_125] : memref<4096x200x64xf32, #tpu.memory_space<hbm>> -> memref<1x200x64xf32, #tpu.memory_space<hbm>>
    %dma_start3A_127 = arith.constant 0 : i32
    %dma_start3A_128 = arith.constant 0 : i32
    %dma_start3A_129 = tpu.memref_slice %arg4[%add3A_123, %dma_start3A_127, %dma_start3A_128] : memref<4096x200x64xf32, #tpu.memory_space<hbm>> -> memref<1x200x64xf32, #tpu.memory_space<hbm>>
    tpu.enqueue_dma source(%arg9 : memref<1x200x64xf32, #tpu.memory_space<vmem>>) target(%dma_start3A_129 : memref<1x200x64xf32, #tpu.memory_space<hbm>>) target_semaphore(%arg25 : memref<!tpu.dma_semaphore, #tpu.memory_space<semaphore_mem>>)
    %dma_start3A_130 = arith.constant 0 : i32
    %dma_start3A_131 = arith.constant 0 : i32
    %dma_start3A_132 = arith.constant 0 : i32
    %dma_start3A_133 = tpu.memref_slice %arg11[%dma_start3A_130, %dma_start3A_131, %dma_start3A_132] : memref<1x200x64xf32, #tpu.memory_space<vmem>> -> memref<1x200x64xf32, #tpu.memory_space<vmem>>
    %dma_start3A_134 = tpu.memref_squeeze %dma_start3A_133 : memref<1x200x64xf32, #tpu.memory_space<vmem>> -> memref<200x64xf32, #tpu.memory_space<vmem>>
    %dma_start3A_135 = arith.constant 1000 : i32
    %dma_start3A_136 = tpu.memref_slice %arg5[%dma_start3A_135] : memref<25600xi32, #tpu.memory_space<vmem>> -> memref<200xi32, #tpu.memory_space<vmem>>
    %dma_start3A_137 = arith.constant 0 : i32
    %dma_start3A_138 = arith.constant 0 : i32
    %dma_start3A_139 = tpu.memref_slice %arg3[%dma_start3A_137, %dma_start3A_138] : memref<1000000x64xf32, #tpu.memory_space<hbm>> -> memref<1000000x64xf32, #tpu.memory_space<hbm>>
    tpu.enqueue_indirect_dma source(%dma_start3A_139 : memref<1000000x64xf32, #tpu.memory_space<hbm>>) target(%dma_start3A_134 : memref<200x64xf32, #tpu.memory_space<vmem>>) offsets(%dma_start3A_136 : memref<200xi32, #tpu.memory_space<vmem>>) semaphore(%arg19 : memref<!tpu.dma_semaphore, #tpu.memory_space<semaphore_mem>>)
    %dma_wait3A_140 = arith.constant 0 : i32
    %dma_wait3A_141 = arith.constant 0 : i32
    %dma_wait3A_142 = arith.constant 0 : i32
    %dma_wait3A_143 = tpu.memref_slice %arg10[%dma_wait3A_140, %dma_wait3A_141, %dma_wait3A_142] : memref<1x200x64xf32, #tpu.memory_space<vmem>> -> memref<1x200x64xf32, #tpu.memory_space<vmem>>
    %dma_wait3A_144 = tpu.memref_squeeze %dma_wait3A_143 : memref<1x200x64xf32, #tpu.memory_space<vmem>> -> memref<200x64xf32, #tpu.memory_space<vmem>>
    %dma_wait3A_145 = arith.constant 800 : i32
    %dma_wait3A_146 = tpu.memref_slice %arg5[%dma_wait3A_145] : memref<25600xi32, #tpu.memory_space<vmem>> -> memref<200xi32, #tpu.memory_space<vmem>>
    %dma_wait3A_147 = arith.constant 0 : i32
    %dma_wait3A_148 = arith.constant 0 : i32
    %dma_wait3A_149 = tpu.memref_slice %arg3[%dma_wait3A_147, %dma_wait3A_148] : memref<1000000x64xf32, #tpu.memory_space<hbm>> -> memref<1000000x64xf32, #tpu.memory_space<hbm>>
    tpu.wait_indirect_dma semaphore(%arg18 : memref<!tpu.dma_semaphore, #tpu.memory_space<semaphore_mem>>) src(%dma_wait3A_149 : memref<1000000x64xf32, #tpu.memory_space<hbm>>) dst(%dma_wait3A_144 : memref<200x64xf32, #tpu.memory_space<vmem>>)
    %add3A_150 = arith.constant 4 : i32
    %add3A_151 = arith.addi %mul3A_4, %add3A_150 : i32
    %dma_start3A_152 = arith.constant 0 : i32
    %dma_start3A_153 = arith.constant 0 : i32
    %dma_start3A_154 = tpu.memref_slice %arg4[%add3A_151, %dma_start3A_152, %dma_start3A_153] : memref<4096x200x64xf32, #tpu.memory_space<hbm>> -> memref<1x200x64xf32, #tpu.memory_space<hbm>>
    %dma_start3A_155 = arith.constant 0 : i32
    %dma_start3A_156 = arith.constant 0 : i32
    %dma_start3A_157 = tpu.memref_slice %arg4[%add3A_151, %dma_start3A_155, %dma_start3A_156] : memref<4096x200x64xf32, #tpu.memory_space<hbm>> -> memref<1x200x64xf32, #tpu.memory_space<hbm>>
    tpu.enqueue_dma source(%arg10 : memref<1x200x64xf32, #tpu.memory_space<vmem>>) target(%dma_start3A_157 : memref<1x200x64xf32, #tpu.memory_space<hbm>>) target_semaphore(%arg26 : memref<!tpu.dma_semaphore, #tpu.memory_space<semaphore_mem>>)
    %dma_start3A_158 = arith.constant 0 : i32
    %dma_start3A_159 = arith.constant 0 : i32
    %dma_start3A_160 = arith.constant 0 : i32
    %dma_start3A_161 = tpu.memref_slice %arg12[%dma_start3A_158, %dma_start3A_159, %dma_start3A_160] : memref<1x200x64xf32, #tpu.memory_space<vmem>> -> memref<1x200x64xf32, #tpu.memory_space<vmem>>
    %dma_start3A_162 = tpu.memref_squeeze %dma_start3A_161 : memref<1x200x64xf32, #tpu.memory_space<vmem>> -> memref<200x64xf32, #tpu.memory_space<vmem>>
    %dma_start3A_163 = arith.constant 1200 : i32
    %dma_start3A_164 = tpu.memref_slice %arg5[%dma_start3A_163] : memref<25600xi32, #tpu.memory_space<vmem>> -> memref<200xi32, #tpu.memory_space<vmem>>
    %dma_start3A_165 = arith.constant 0 : i32
    %dma_start3A_166 = arith.constant 0 : i32
    %dma_start3A_167 = tpu.memref_slice %arg3[%dma_start3A_165, %dma_start3A_166] : memref<1000000x64xf32, #tpu.memory_space<hbm>> -> memref<1000000x64xf32, #tpu.memory_space<hbm>>
    tpu.enqueue_indirect_dma source(%dma_start3A_167 : memref<1000000x64xf32, #tpu.memory_space<hbm>>) target(%dma_start3A_162 : memref<200x64xf32, #tpu.memory_space<vmem>>) offsets(%dma_start3A_164 : memref<200xi32, #tpu.memory_space<vmem>>) semaphore(%arg20 : memref<!tpu.dma_semaphore, #tpu.memory_space<semaphore_mem>>)
    %dma_wait3A_168 = arith.constant 0 : i32
    %dma_wait3A_169 = arith.constant 0 : i32
    %dma_wait3A_170 = arith.constant 0 : i32
    %dma_wait3A_171 = tpu.memref_slice %arg11[%dma_wait3A_168, %dma_wait3A_169, %dma_wait3A_170] : memref<1x200x64xf32, #tpu.memory_space<vmem>> -> memref<1x200x64xf32, #tpu.memory_space<vmem>>
    %dma_wait3A_172 = tpu.memref_squeeze %dma_wait3A_171 : memref<1x200x64xf32, #tpu.memory_space<vmem>> -> memref<200x64xf32, #tpu.memory_space<vmem>>
    %dma_wait3A_173 = arith.constant 1000 : i32
    %dma_wait3A_174 = tpu.memref_slice %arg5[%dma_wait3A_173] : memref<25600xi32, #tpu.memory_space<vmem>> -> memref<200xi32, #tpu.memory_space<vmem>>
    %dma_wait3A_175 = arith.constant 0 : i32
    %dma_wait3A_176 = arith.constant 0 : i32
    %dma_wait3A_177 = tpu.memref_slice %arg3[%dma_wait3A_175, %dma_wait3A_176] : memref<1000000x64xf32, #tpu.memory_space<hbm>> -> memref<1000000x64xf32, #tpu.memory_space<hbm>>
    tpu.wait_indirect_dma semaphore(%arg19 : memref<!tpu.dma_semaphore, #tpu.memory_space<semaphore_mem>>) src(%dma_wait3A_177 : memref<1000000x64xf32, #tpu.memory_space<hbm>>) dst(%dma_wait3A_172 : memref<200x64xf32, #tpu.memory_space<vmem>>)
    %add3A_178 = arith.constant 5 : i32
    %add3A_179 = arith.addi %mul3A_4, %add3A_178 : i32
    %dma_start3A_180 = arith.constant 0 : i32
    %dma_start3A_181 = arith.constant 0 : i32
    %dma_start3A_182 = tpu.memref_slice %arg4[%add3A_179, %dma_start3A_180, %dma_start3A_181] : memref<4096x200x64xf32, #tpu.memory_space<hbm>> -> memref<1x200x64xf32, #tpu.memory_space<hbm>>
    %dma_start3A_183 = arith.constant 0 : i32
    %dma_start3A_184 = arith.constant 0 : i32
    %dma_start3A_185 = tpu.memref_slice %arg4[%add3A_179, %dma_start3A_183, %dma_start3A_184] : memref<4096x200x64xf32, #tpu.memory_space<hbm>> -> memref<1x200x64xf32, #tpu.memory_space<hbm>>
    tpu.enqueue_dma source(%arg11 : memref<1x200x64xf32, #tpu.memory_space<vmem>>) target(%dma_start3A_185 : memref<1x200x64xf32, #tpu.memory_space<hbm>>) target_semaphore(%arg27 : memref<!tpu.dma_semaphore, #tpu.memory_space<semaphore_mem>>)
    %dma_start3A_186 = arith.constant 0 : i32
    %dma_start3A_187 = arith.constant 0 : i32
    %dma_start3A_188 = arith.constant 0 : i32
    %dma_start3A_189 = tpu.memref_slice %arg13[%dma_start3A_186, %dma_start3A_187, %dma_start3A_188] : memref<1x200x64xf32, #tpu.memory_space<vmem>> -> memref<1x200x64xf32, #tpu.memory_space<vmem>>
    %dma_start3A_190 = tpu.memref_squeeze %dma_start3A_189 : memref<1x200x64xf32, #tpu.memory_space<vmem>> -> memref<200x64xf32, #tpu.memory_space<vmem>>
    %dma_start3A_191 = arith.constant 1400 : i32
    %dma_start3A_192 = tpu.memref_slice %arg5[%dma_start3A_191] : memref<25600xi32, #tpu.memory_space<vmem>> -> memref<200xi32, #tpu.memory_space<vmem>>
    %dma_start3A_193 = arith.constant 0 : i32
    %dma_start3A_194 = arith.constant 0 : i32
    %dma_start3A_195 = tpu.memref_slice %arg3[%dma_start3A_193, %dma_start3A_194] : memref<1000000x64xf32, #tpu.memory_space<hbm>> -> memref<1000000x64xf32, #tpu.memory_space<hbm>>
    tpu.enqueue_indirect_dma source(%dma_start3A_195 : memref<1000000x64xf32, #tpu.memory_space<hbm>>) target(%dma_start3A_190 : memref<200x64xf32, #tpu.memory_space<vmem>>) offsets(%dma_start3A_192 : memref<200xi32, #tpu.memory_space<vmem>>) semaphore(%arg21 : memref<!tpu.dma_semaphore, #tpu.memory_space<semaphore_mem>>)
    %dma_wait3A_196 = arith.constant 0 : i32
    %dma_wait3A_197 = arith.constant 0 : i32
    %dma_wait3A_198 = arith.constant 0 : i32
    %dma_wait3A_199 = tpu.memref_slice %arg12[%dma_wait3A_196, %dma_wait3A_197, %dma_wait3A_198] : memref<1x200x64xf32, #tpu.memory_space<vmem>> -> memref<1x200x64xf32, #tpu.memory_space<vmem>>
    %dma_wait3A_200 = tpu.memref_squeeze %dma_wait3A_199 : memref<1x200x64xf32, #tpu.memory_space<vmem>> -> memref<200x64xf32, #tpu.memory_space<vmem>>
    %dma_wait3A_201 = arith.constant 1200 : i32
    %dma_wait3A_202 = tpu.memref_slice %arg5[%dma_wait3A_201] : memref<25600xi32, #tpu.memory_space<vmem>> -> memref<200xi32, #tpu.memory_space<vmem>>
    %dma_wait3A_203 = arith.constant 0 : i32
    %dma_wait3A_204 = arith.constant 0 : i32
    %dma_wait3A_205 = tpu.memref_slice %arg3[%dma_wait3A_203, %dma_wait3A_204] : memref<1000000x64xf32, #tpu.memory_space<hbm>> -> memref<1000000x64xf32, #tpu.memory_space<hbm>>
    tpu.wait_indirect_dma semaphore(%arg20 : memref<!tpu.dma_semaphore, #tpu.memory_space<semaphore_mem>>) src(%dma_wait3A_205 : memref<1000000x64xf32, #tpu.memory_space<hbm>>) dst(%dma_wait3A_200 : memref<200x64xf32, #tpu.memory_space<vmem>>)
    %add3A_206 = arith.constant 6 : i32
    %add3A_207 = arith.addi %mul3A_4, %add3A_206 : i32
    %dma_start3A_208 = arith.constant 0 : i32
    %dma_start3A_209 = arith.constant 0 : i32
    %dma_start3A_210 = tpu.memref_slice %arg4[%add3A_207, %dma_start3A_208, %dma_start3A_209] : memref<4096x200x64xf32, #tpu.memory_space<hbm>> -> memref<1x200x64xf32, #tpu.memory_space<hbm>>
    %dma_start3A_211 = arith.constant 0 : i32
    %dma_start3A_212 = arith.constant 0 : i32
    %dma_start3A_213 = tpu.memref_slice %arg4[%add3A_207, %dma_start3A_211, %dma_start3A_212] : memref<4096x200x64xf32, #tpu.memory_space<hbm>> -> memref<1x200x64xf32, #tpu.memory_space<hbm>>
    tpu.enqueue_dma source(%arg12 : memref<1x200x64xf32, #tpu.memory_space<vmem>>) target(%dma_start3A_213 : memref<1x200x64xf32, #tpu.memory_space<hbm>>) target_semaphore(%arg28 : memref<!tpu.dma_semaphore, #tpu.memory_space<semaphore_mem>>)
    %scan3A_214 = arith.constant 0 : i32
    %scan3A_215 = arith.constant 1 : i32
    %scan3A_216 = arith.constant 15 : i32
    %scan3A_217 = arith.addi %scan3A_215, %scan3A_216 : i32
    %scan3A_218 = arith.constant 1 : i32
    scf.for %scan3A_302 = %scan3A_215 to %scan3A_217 step %scan3A_218  : i32 {
      %mul3A_303 = arith.constant 8 : i32
      %mul3A_304 = arith.muli %scan3A_302, %mul3A_303 : i32
      %add3A_305 = arith.constant 0 : i32
      %add3A_306 = arith.addi %mul3A_304, %add3A_305 : i32
      %sub3A = arith.constant 8 : i32
      %sub3A_307 = arith.subi %add3A_306, %sub3A : i32
      %add3A_308 = arith.addi %mul3A_4, %sub3A_307 : i32
      %dma_wait3A_309 = arith.constant 0 : i32
      %dma_wait3A_310 = arith.constant 0 : i32
      %dma_wait3A_311 = tpu.memref_slice %arg4[%add3A_308, %dma_wait3A_309, %dma_wait3A_310] : memref<4096x200x64xf32, #tpu.memory_space<hbm>> -> memref<1x200x64xf32, #tpu.memory_space<hbm>>
      %dma_wait3A_312 = arith.constant 0 : i32
      %dma_wait3A_313 = arith.constant 0 : i32
      %dma_wait3A_314 = tpu.memref_slice %arg4[%add3A_308, %dma_wait3A_312, %dma_wait3A_313] : memref<4096x200x64xf32, #tpu.memory_space<hbm>> -> memref<1x200x64xf32, #tpu.memory_space<hbm>>
      tpu.wait_dma2 semaphore(%arg22 : memref<!tpu.dma_semaphore, #tpu.memory_space<semaphore_mem>>) src(%arg6 : memref<1x200x64xf32, #tpu.memory_space<vmem>>) dst(%dma_wait3A_314 : memref<1x200x64xf32, #tpu.memory_space<hbm>>)
      %mul3A_315 = arith.constant 200 : i32
      %mul3A_316 = arith.muli %add3A_306, %mul3A_315 : i32
      %dma_start3A_317 = arith.constant 0 : i32
      %dma_start3A_318 = arith.constant 0 : i32
      %dma_start3A_319 = arith.constant 0 : i32
      %dma_start3A_320 = tpu.memref_slice %arg6[%dma_start3A_317, %dma_start3A_318, %dma_start3A_319] : memref<1x200x64xf32, #tpu.memory_space<vmem>> -> memref<1x200x64xf32, #tpu.memory_space<vmem>>
      %dma_start3A_321 = tpu.memref_squeeze %dma_start3A_320 : memref<1x200x64xf32, #tpu.memory_space<vmem>> -> memref<200x64xf32, #tpu.memory_space<vmem>>
      %dma_start3A_322 = tpu.memref_slice %arg5[%mul3A_316] : memref<25600xi32, #tpu.memory_space<vmem>> -> memref<200xi32, #tpu.memory_space<vmem>>
      %dma_start3A_323 = arith.constant 0 : i32
      %dma_start3A_324 = arith.constant 0 : i32
      %dma_start3A_325 = tpu.memref_slice %arg3[%dma_start3A_323, %dma_start3A_324] : memref<1000000x64xf32, #tpu.memory_space<hbm>> -> memref<1000000x64xf32, #tpu.memory_space<hbm>>
      tpu.enqueue_indirect_dma source(%dma_start3A_325 : memref<1000000x64xf32, #tpu.memory_space<hbm>>) target(%dma_start3A_321 : memref<200x64xf32, #tpu.memory_space<vmem>>) offsets(%dma_start3A_322 : memref<200xi32, #tpu.memory_space<vmem>>) semaphore(%arg14 : memref<!tpu.dma_semaphore, #tpu.memory_space<semaphore_mem>>)
      %sub3A_326 = arith.constant 1 : i32
      %sub3A_327 = arith.subi %add3A_306, %sub3A_326 : i32
      %mul3A_328 = arith.constant 200 : i32
      %mul3A_329 = arith.muli %sub3A_327, %mul3A_328 : i32
      %dma_wait3A_330 = arith.constant 0 : i32
      %dma_wait3A_331 = arith.constant 0 : i32
      %dma_wait3A_332 = arith.constant 0 : i32
      %dma_wait3A_333 = tpu.memref_slice %arg13[%dma_wait3A_330, %dma_wait3A_331, %dma_wait3A_332] : memref<1x200x64xf32, #tpu.memory_space<vmem>> -> memref<1x200x64xf32, #tpu.memory_space<vmem>>
      %dma_wait3A_334 = tpu.memref_squeeze %dma_wait3A_333 : memref<1x200x64xf32, #tpu.memory_space<vmem>> -> memref<200x64xf32, #tpu.memory_space<vmem>>
      %dma_wait3A_335 = tpu.memref_slice %arg5[%mul3A_329] : memref<25600xi32, #tpu.memory_space<vmem>> -> memref<200xi32, #tpu.memory_space<vmem>>
      %dma_wait3A_336 = arith.constant 0 : i32
      %dma_wait3A_337 = arith.constant 0 : i32
      %dma_wait3A_338 = tpu.memref_slice %arg3[%dma_wait3A_336, %dma_wait3A_337] : memref<1000000x64xf32, #tpu.memory_space<hbm>> -> memref<1000000x64xf32, #tpu.memory_space<hbm>>
      tpu.wait_indirect_dma semaphore(%arg21 : memref<!tpu.dma_semaphore, #tpu.memory_space<semaphore_mem>>) src(%dma_wait3A_338 : memref<1000000x64xf32, #tpu.memory_space<hbm>>) dst(%dma_wait3A_334 : memref<200x64xf32, #tpu.memory_space<vmem>>)
      %sub3A_339 = arith.constant 1 : i32
      %sub3A_340 = arith.subi %add3A_306, %sub3A_339 : i32
      %add3A_341 = arith.addi %mul3A_4, %sub3A_340 : i32
      %dma_start3A_342 = arith.constant 0 : i32
      %dma_start3A_343 = arith.constant 0 : i32
      %dma_start3A_344 = tpu.memref_slice %arg4[%add3A_341, %dma_start3A_342, %dma_start3A_343] : memref<4096x200x64xf32, #tpu.memory_space<hbm>> -> memref<1x200x64xf32, #tpu.memory_space<hbm>>
      %dma_start3A_345 = arith.constant 0 : i32
      %dma_start3A_346 = arith.constant 0 : i32
      %dma_start3A_347 = tpu.memref_slice %arg4[%add3A_341, %dma_start3A_345, %dma_start3A_346] : memref<4096x200x64xf32, #tpu.memory_space<hbm>> -> memref<1x200x64xf32, #tpu.memory_space<hbm>>
      tpu.enqueue_dma source(%arg13 : memref<1x200x64xf32, #tpu.memory_space<vmem>>) target(%dma_start3A_347 : memref<1x200x64xf32, #tpu.memory_space<hbm>>) target_semaphore(%arg29 : memref<!tpu.dma_semaphore, #tpu.memory_space<semaphore_mem>>)
      %mul3A_348 = arith.constant 8 : i32
      %mul3A_349 = arith.muli %scan3A_302, %mul3A_348 : i32
      %add3A_350 = arith.constant 1 : i32
      %add3A_351 = arith.addi %mul3A_349, %add3A_350 : i32
      %sub3A_352 = arith.constant 8 : i32
      %sub3A_353 = arith.subi %add3A_351, %sub3A_352 : i32
      %add3A_354 = arith.addi %mul3A_4, %sub3A_353 : i32
      %dma_wait3A_355 = arith.constant 0 : i32
      %dma_wait3A_356 = arith.constant 0 : i32
      %dma_wait3A_357 = tpu.memref_slice %arg4[%add3A_354, %dma_wait3A_355, %dma_wait3A_356] : memref<4096x200x64xf32, #tpu.memory_space<hbm>> -> memref<1x200x64xf32, #tpu.memory_space<hbm>>
      %dma_wait3A_358 = arith.constant 0 : i32
      %dma_wait3A_359 = arith.constant 0 : i32
      %dma_wait3A_360 = tpu.memref_slice %arg4[%add3A_354, %dma_wait3A_358, %dma_wait3A_359] : memref<4096x200x64xf32, #tpu.memory_space<hbm>> -> memref<1x200x64xf32, #tpu.memory_space<hbm>>
      tpu.wait_dma2 semaphore(%arg23 : memref<!tpu.dma_semaphore, #tpu.memory_space<semaphore_mem>>) src(%arg7 : memref<1x200x64xf32, #tpu.memory_space<vmem>>) dst(%dma_wait3A_360 : memref<1x200x64xf32, #tpu.memory_space<hbm>>)
      %mul3A_361 = arith.constant 200 : i32
      %mul3A_362 = arith.muli %add3A_351, %mul3A_361 : i32
      %dma_start3A_363 = arith.constant 0 : i32
      %dma_start3A_364 = arith.constant 0 : i32
      %dma_start3A_365 = arith.constant 0 : i32
      %dma_start3A_366 = tpu.memref_slice %arg7[%dma_start3A_363, %dma_start3A_364, %dma_start3A_365] : memref<1x200x64xf32, #tpu.memory_space<vmem>> -> memref<1x200x64xf32, #tpu.memory_space<vmem>>
      %dma_start3A_367 = tpu.memref_squeeze %dma_start3A_366 : memref<1x200x64xf32, #tpu.memory_space<vmem>> -> memref<200x64xf32, #tpu.memory_space<vmem>>
      %dma_start3A_368 = tpu.memref_slice %arg5[%mul3A_362] : memref<25600xi32, #tpu.memory_space<vmem>> -> memref<200xi32, #tpu.memory_space<vmem>>
      %dma_start3A_369 = arith.constant 0 : i32
      %dma_start3A_370 = arith.constant 0 : i32
      %dma_start3A_371 = tpu.memref_slice %arg3[%dma_start3A_369, %dma_start3A_370] : memref<1000000x64xf32, #tpu.memory_space<hbm>> -> memref<1000000x64xf32, #tpu.memory_space<hbm>>
      tpu.enqueue_indirect_dma source(%dma_start3A_371 : memref<1000000x64xf32, #tpu.memory_space<hbm>>) target(%dma_start3A_367 : memref<200x64xf32, #tpu.memory_space<vmem>>) offsets(%dma_start3A_368 : memref<200xi32, #tpu.memory_space<vmem>>) semaphore(%arg15 : memref<!tpu.dma_semaphore, #tpu.memory_space<semaphore_mem>>)
      %sub3A_372 = arith.constant 1 : i32
      %sub3A_373 = arith.subi %add3A_351, %sub3A_372 : i32
      %mul3A_374 = arith.constant 200 : i32
      %mul3A_375 = arith.muli %sub3A_373, %mul3A_374 : i32
      %dma_wait3A_376 = arith.constant 0 : i32
      %dma_wait3A_377 = arith.constant 0 : i32
      %dma_wait3A_378 = arith.constant 0 : i32
      %dma_wait3A_379 = tpu.memref_slice %arg6[%dma_wait3A_376, %dma_wait3A_377, %dma_wait3A_378] : memref<1x200x64xf32, #tpu.memory_space<vmem>> -> memref<1x200x64xf32, #tpu.memory_space<vmem>>
      %dma_wait3A_380 = tpu.memref_squeeze %dma_wait3A_379 : memref<1x200x64xf32, #tpu.memory_space<vmem>> -> memref<200x64xf32, #tpu.memory_space<vmem>>
      %dma_wait3A_381 = tpu.memref_slice %arg5[%mul3A_375] : memref<25600xi32, #tpu.memory_space<vmem>> -> memref<200xi32, #tpu.memory_space<vmem>>
      %dma_wait3A_382 = arith.constant 0 : i32
      %dma_wait3A_383 = arith.constant 0 : i32
      %dma_wait3A_384 = tpu.memref_slice %arg3[%dma_wait3A_382, %dma_wait3A_383] : memref<1000000x64xf32, #tpu.memory_space<hbm>> -> memref<1000000x64xf32, #tpu.memory_space<hbm>>
      tpu.wait_indirect_dma semaphore(%arg14 : memref<!tpu.dma_semaphore, #tpu.memory_space<semaphore_mem>>) src(%dma_wait3A_384 : memref<1000000x64xf32, #tpu.memory_space<hbm>>) dst(%dma_wait3A_380 : memref<200x64xf32, #tpu.memory_space<vmem>>)
      %sub3A_385 = arith.constant 1 : i32
      %sub3A_386 = arith.subi %add3A_351, %sub3A_385 : i32
      %add3A_387 = arith.addi %mul3A_4, %sub3A_386 : i32
      %dma_start3A_388 = arith.constant 0 : i32
      %dma_start3A_389 = arith.constant 0 : i32
      %dma_start3A_390 = tpu.memref_slice %arg4[%add3A_387, %dma_start3A_388, %dma_start3A_389] : memref<4096x200x64xf32, #tpu.memory_space<hbm>> -> memref<1x200x64xf32, #tpu.memory_space<hbm>>
      %dma_start3A_391 = arith.constant 0 : i32
      %dma_start3A_392 = arith.constant 0 : i32
      %dma_start3A_393 = tpu.memref_slice %arg4[%add3A_387, %dma_start3A_391, %dma_start3A_392] : memref<4096x200x64xf32, #tpu.memory_space<hbm>> -> memref<1x200x64xf32, #tpu.memory_space<hbm>>
      tpu.enqueue_dma source(%arg6 : memref<1x200x64xf32, #tpu.memory_space<vmem>>) target(%dma_start3A_393 : memref<1x200x64xf32, #tpu.memory_space<hbm>>) target_semaphore(%arg22 : memref<!tpu.dma_semaphore, #tpu.memory_space<semaphore_mem>>)
      %mul3A_394 = arith.constant 8 : i32
      %mul3A_395 = arith.muli %scan3A_302, %mul3A_394 : i32
      %add3A_396 = arith.constant 2 : i32
      %add3A_397 = arith.addi %mul3A_395, %add3A_396 : i32
      %sub3A_398 = arith.constant 8 : i32
      %sub3A_399 = arith.subi %add3A_397, %sub3A_398 : i32
      %add3A_400 = arith.addi %mul3A_4, %sub3A_399 : i32
      %dma_wait3A_401 = arith.constant 0 : i32
      %dma_wait3A_402 = arith.constant 0 : i32
      %dma_wait3A_403 = tpu.memref_slice %arg4[%add3A_400, %dma_wait3A_401, %dma_wait3A_402] : memref<4096x200x64xf32, #tpu.memory_space<hbm>> -> memref<1x200x64xf32, #tpu.memory_space<hbm>>
      %dma_wait3A_404 = arith.constant 0 : i32
      %dma_wait3A_405 = arith.constant 0 : i32
      %dma_wait3A_406 = tpu.memref_slice %arg4[%add3A_400, %dma_wait3A_404, %dma_wait3A_405] : memref<4096x200x64xf32, #tpu.memory_space<hbm>> -> memref<1x200x64xf32, #tpu.memory_space<hbm>>
      tpu.wait_dma2 semaphore(%arg24 : memref<!tpu.dma_semaphore, #tpu.memory_space<semaphore_mem>>) src(%arg8 : memref<1x200x64xf32, #tpu.memory_space<vmem>>) dst(%dma_wait3A_406 : memref<1x200x64xf32, #tpu.memory_space<hbm>>)
      %mul3A_407 = arith.constant 200 : i32
      %mul3A_408 = arith.muli %add3A_397, %mul3A_407 : i32
      %dma_start3A_409 = arith.constant 0 : i32
      %dma_start3A_410 = arith.constant 0 : i32
      %dma_start3A_411 = arith.constant 0 : i32
      %dma_start3A_412 = tpu.memref_slice %arg8[%dma_start3A_409, %dma_start3A_410, %dma_start3A_411] : memref<1x200x64xf32, #tpu.memory_space<vmem>> -> memref<1x200x64xf32, #tpu.memory_space<vmem>>
      %dma_start3A_413 = tpu.memref_squeeze %dma_start3A_412 : memref<1x200x64xf32, #tpu.memory_space<vmem>> -> memref<200x64xf32, #tpu.memory_space<vmem>>
      %dma_start3A_414 = tpu.memref_slice %arg5[%mul3A_408] : memref<25600xi32, #tpu.memory_space<vmem>> -> memref<200xi32, #tpu.memory_space<vmem>>
      %dma_start3A_415 = arith.constant 0 : i32
      %dma_start3A_416 = arith.constant 0 : i32
      %dma_start3A_417 = tpu.memref_slice %arg3[%dma_start3A_415, %dma_start3A_416] : memref<1000000x64xf32, #tpu.memory_space<hbm>> -> memref<1000000x64xf32, #tpu.memory_space<hbm>>
      tpu.enqueue_indirect_dma source(%dma_start3A_417 : memref<1000000x64xf32, #tpu.memory_space<hbm>>) target(%dma_start3A_413 : memref<200x64xf32, #tpu.memory_space<vmem>>) offsets(%dma_start3A_414 : memref<200xi32, #tpu.memory_space<vmem>>) semaphore(%arg16 : memref<!tpu.dma_semaphore, #tpu.memory_space<semaphore_mem>>)
      %sub3A_418 = arith.constant 1 : i32
      %sub3A_419 = arith.subi %add3A_397, %sub3A_418 : i32
      %mul3A_420 = arith.constant 200 : i32
      %mul3A_421 = arith.muli %sub3A_419, %mul3A_420 : i32
      %dma_wait3A_422 = arith.constant 0 : i32
      %dma_wait3A_423 = arith.constant 0 : i32
      %dma_wait3A_424 = arith.constant 0 : i32
      %dma_wait3A_425 = tpu.memref_slice %arg7[%dma_wait3A_422, %dma_wait3A_423, %dma_wait3A_424] : memref<1x200x64xf32, #tpu.memory_space<vmem>> -> memref<1x200x64xf32, #tpu.memory_space<vmem>>
      %dma_wait3A_426 = tpu.memref_squeeze %dma_wait3A_425 : memref<1x200x64xf32, #tpu.memory_space<vmem>> -> memref<200x64xf32, #tpu.memory_space<vmem>>
      %dma_wait3A_427 = tpu.memref_slice %arg5[%mul3A_421] : memref<25600xi32, #tpu.memory_space<vmem>> -> memref<200xi32, #tpu.memory_space<vmem>>
      %dma_wait3A_428 = arith.constant 0 : i32
      %dma_wait3A_429 = arith.constant 0 : i32
      %dma_wait3A_430 = tpu.memref_slice %arg3[%dma_wait3A_428, %dma_wait3A_429] : memref<1000000x64xf32, #tpu.memory_space<hbm>> -> memref<1000000x64xf32, #tpu.memory_space<hbm>>
      tpu.wait_indirect_dma semaphore(%arg15 : memref<!tpu.dma_semaphore, #tpu.memory_space<semaphore_mem>>) src(%dma_wait3A_430 : memref<1000000x64xf32, #tpu.memory_space<hbm>>) dst(%dma_wait3A_426 : memref<200x64xf32, #tpu.memory_space<vmem>>)
      %sub3A_431 = arith.constant 1 : i32
      %sub3A_432 = arith.subi %add3A_397, %sub3A_431 : i32
      %add3A_433 = arith.addi %mul3A_4, %sub3A_432 : i32
      %dma_start3A_434 = arith.constant 0 : i32
      %dma_start3A_435 = arith.constant 0 : i32
      %dma_start3A_436 = tpu.memref_slice %arg4[%add3A_433, %dma_start3A_434, %dma_start3A_435] : memref<4096x200x64xf32, #tpu.memory_space<hbm>> -> memref<1x200x64xf32, #tpu.memory_space<hbm>>
      %dma_start3A_437 = arith.constant 0 : i32
      %dma_start3A_438 = arith.constant 0 : i32
      %dma_start3A_439 = tpu.memref_slice %arg4[%add3A_433, %dma_start3A_437, %dma_start3A_438] : memref<4096x200x64xf32, #tpu.memory_space<hbm>> -> memref<1x200x64xf32, #tpu.memory_space<hbm>>
      tpu.enqueue_dma source(%arg7 : memref<1x200x64xf32, #tpu.memory_space<vmem>>) target(%dma_start3A_439 : memref<1x200x64xf32, #tpu.memory_space<hbm>>) target_semaphore(%arg23 : memref<!tpu.dma_semaphore, #tpu.memory_space<semaphore_mem>>)
      %mul3A_440 = arith.constant 8 : i32
      %mul3A_441 = arith.muli %scan3A_302, %mul3A_440 : i32
      %add3A_442 = arith.constant 3 : i32
      %add3A_443 = arith.addi %mul3A_441, %add3A_442 : i32
      %sub3A_444 = arith.constant 8 : i32
      %sub3A_445 = arith.subi %add3A_443, %sub3A_444 : i32
      %add3A_446 = arith.addi %mul3A_4, %sub3A_445 : i32
      %dma_wait3A_447 = arith.constant 0 : i32
      %dma_wait3A_448 = arith.constant 0 : i32
      %dma_wait3A_449 = tpu.memref_slice %arg4[%add3A_446, %dma_wait3A_447, %dma_wait3A_448] : memref<4096x200x64xf32, #tpu.memory_space<hbm>> -> memref<1x200x64xf32, #tpu.memory_space<hbm>>
      %dma_wait3A_450 = arith.constant 0 : i32
      %dma_wait3A_451 = arith.constant 0 : i32
      %dma_wait3A_452 = tpu.memref_slice %arg4[%add3A_446, %dma_wait3A_450, %dma_wait3A_451] : memref<4096x200x64xf32, #tpu.memory_space<hbm>> -> memref<1x200x64xf32, #tpu.memory_space<hbm>>
      tpu.wait_dma2 semaphore(%arg25 : memref<!tpu.dma_semaphore, #tpu.memory_space<semaphore_mem>>) src(%arg9 : memref<1x200x64xf32, #tpu.memory_space<vmem>>) dst(%dma_wait3A_452 : memref<1x200x64xf32, #tpu.memory_space<hbm>>)
      %mul3A_453 = arith.constant 200 : i32
      %mul3A_454 = arith.muli %add3A_443, %mul3A_453 : i32
      %dma_start3A_455 = arith.constant 0 : i32
      %dma_start3A_456 = arith.constant 0 : i32
      %dma_start3A_457 = arith.constant 0 : i32
      %dma_start3A_458 = tpu.memref_slice %arg9[%dma_start3A_455, %dma_start3A_456, %dma_start3A_457] : memref<1x200x64xf32, #tpu.memory_space<vmem>> -> memref<1x200x64xf32, #tpu.memory_space<vmem>>
      %dma_start3A_459 = tpu.memref_squeeze %dma_start3A_458 : memref<1x200x64xf32, #tpu.memory_space<vmem>> -> memref<200x64xf32, #tpu.memory_space<vmem>>
      %dma_start3A_460 = tpu.memref_slice %arg5[%mul3A_454] : memref<25600xi32, #tpu.memory_space<vmem>> -> memref<200xi32, #tpu.memory_space<vmem>>
      %dma_start3A_461 = arith.constant 0 : i32
      %dma_start3A_462 = arith.constant 0 : i32
      %dma_start3A_463 = tpu.memref_slice %arg3[%dma_start3A_461, %dma_start3A_462] : memref<1000000x64xf32, #tpu.memory_space<hbm>> -> memref<1000000x64xf32, #tpu.memory_space<hbm>>
      tpu.enqueue_indirect_dma source(%dma_start3A_463 : memref<1000000x64xf32, #tpu.memory_space<hbm>>) target(%dma_start3A_459 : memref<200x64xf32, #tpu.memory_space<vmem>>) offsets(%dma_start3A_460 : memref<200xi32, #tpu.memory_space<vmem>>) semaphore(%arg17 : memref<!tpu.dma_semaphore, #tpu.memory_space<semaphore_mem>>)
      %sub3A_464 = arith.constant 1 : i32
      %sub3A_465 = arith.subi %add3A_443, %sub3A_464 : i32
      %mul3A_466 = arith.constant 200 : i32
      %mul3A_467 = arith.muli %sub3A_465, %mul3A_466 : i32
      %dma_wait3A_468 = arith.constant 0 : i32
      %dma_wait3A_469 = arith.constant 0 : i32
      %dma_wait3A_470 = arith.constant 0 : i32
      %dma_wait3A_471 = tpu.memref_slice %arg8[%dma_wait3A_468, %dma_wait3A_469, %dma_wait3A_470] : memref<1x200x64xf32, #tpu.memory_space<vmem>> -> memref<1x200x64xf32, #tpu.memory_space<vmem>>
      %dma_wait3A_472 = tpu.memref_squeeze %dma_wait3A_471 : memref<1x200x64xf32, #tpu.memory_space<vmem>> -> memref<200x64xf32, #tpu.memory_space<vmem>>
      %dma_wait3A_473 = tpu.memref_slice %arg5[%mul3A_467] : memref<25600xi32, #tpu.memory_space<vmem>> -> memref<200xi32, #tpu.memory_space<vmem>>
      %dma_wait3A_474 = arith.constant 0 : i32
      %dma_wait3A_475 = arith.constant 0 : i32
      %dma_wait3A_476 = tpu.memref_slice %arg3[%dma_wait3A_474, %dma_wait3A_475] : memref<1000000x64xf32, #tpu.memory_space<hbm>> -> memref<1000000x64xf32, #tpu.memory_space<hbm>>
      tpu.wait_indirect_dma semaphore(%arg16 : memref<!tpu.dma_semaphore, #tpu.memory_space<semaphore_mem>>) src(%dma_wait3A_476 : memref<1000000x64xf32, #tpu.memory_space<hbm>>) dst(%dma_wait3A_472 : memref<200x64xf32, #tpu.memory_space<vmem>>)
      %sub3A_477 = arith.constant 1 : i32
      %sub3A_478 = arith.subi %add3A_443, %sub3A_477 : i32
      %add3A_479 = arith.addi %mul3A_4, %sub3A_478 : i32
      %dma_start3A_480 = arith.constant 0 : i32
      %dma_start3A_481 = arith.constant 0 : i32
      %dma_start3A_482 = tpu.memref_slice %arg4[%add3A_479, %dma_start3A_480, %dma_start3A_481] : memref<4096x200x64xf32, #tpu.memory_space<hbm>> -> memref<1x200x64xf32, #tpu.memory_space<hbm>>
      %dma_start3A_483 = arith.constant 0 : i32
      %dma_start3A_484 = arith.constant 0 : i32
      %dma_start3A_485 = tpu.memref_slice %arg4[%add3A_479, %dma_start3A_483, %dma_start3A_484] : memref<4096x200x64xf32, #tpu.memory_space<hbm>> -> memref<1x200x64xf32, #tpu.memory_space<hbm>>
      tpu.enqueue_dma source(%arg8 : memref<1x200x64xf32, #tpu.memory_space<vmem>>) target(%dma_start3A_485 : memref<1x200x64xf32, #tpu.memory_space<hbm>>) target_semaphore(%arg24 : memref<!tpu.dma_semaphore, #tpu.memory_space<semaphore_mem>>)
      %mul3A_486 = arith.constant 8 : i32
      %mul3A_487 = arith.muli %scan3A_302, %mul3A_486 : i32
      %add3A_488 = arith.constant 4 : i32
      %add3A_489 = arith.addi %mul3A_487, %add3A_488 : i32
      %sub3A_490 = arith.constant 8 : i32
      %sub3A_491 = arith.subi %add3A_489, %sub3A_490 : i32
      %add3A_492 = arith.addi %mul3A_4, %sub3A_491 : i32
      %dma_wait3A_493 = arith.constant 0 : i32
      %dma_wait3A_494 = arith.constant 0 : i32
      %dma_wait3A_495 = tpu.memref_slice %arg4[%add3A_492, %dma_wait3A_493, %dma_wait3A_494] : memref<4096x200x64xf32, #tpu.memory_space<hbm>> -> memref<1x200x64xf32, #tpu.memory_space<hbm>>
      %dma_wait3A_496 = arith.constant 0 : i32
      %dma_wait3A_497 = arith.constant 0 : i32
      %dma_wait3A_498 = tpu.memref_slice %arg4[%add3A_492, %dma_wait3A_496, %dma_wait3A_497] : memref<4096x200x64xf32, #tpu.memory_space<hbm>> -> memref<1x200x64xf32, #tpu.memory_space<hbm>>
      tpu.wait_dma2 semaphore(%arg26 : memref<!tpu.dma_semaphore, #tpu.memory_space<semaphore_mem>>) src(%arg10 : memref<1x200x64xf32, #tpu.memory_space<vmem>>) dst(%dma_wait3A_498 : memref<1x200x64xf32, #tpu.memory_space<hbm>>)
      %mul3A_499 = arith.constant 200 : i32
      %mul3A_500 = arith.muli %add3A_489, %mul3A_499 : i32
      %dma_start3A_501 = arith.constant 0 : i32
      %dma_start3A_502 = arith.constant 0 : i32
      %dma_start3A_503 = arith.constant 0 : i32
      %dma_start3A_504 = tpu.memref_slice %arg10[%dma_start3A_501, %dma_start3A_502, %dma_start3A_503] : memref<1x200x64xf32, #tpu.memory_space<vmem>> -> memref<1x200x64xf32, #tpu.memory_space<vmem>>
      %dma_start3A_505 = tpu.memref_squeeze %dma_start3A_504 : memref<1x200x64xf32, #tpu.memory_space<vmem>> -> memref<200x64xf32, #tpu.memory_space<vmem>>
      %dma_start3A_506 = tpu.memref_slice %arg5[%mul3A_500] : memref<25600xi32, #tpu.memory_space<vmem>> -> memref<200xi32, #tpu.memory_space<vmem>>
      %dma_start3A_507 = arith.constant 0 : i32
      %dma_start3A_508 = arith.constant 0 : i32
      %dma_start3A_509 = tpu.memref_slice %arg3[%dma_start3A_507, %dma_start3A_508] : memref<1000000x64xf32, #tpu.memory_space<hbm>> -> memref<1000000x64xf32, #tpu.memory_space<hbm>>
      tpu.enqueue_indirect_dma source(%dma_start3A_509 : memref<1000000x64xf32, #tpu.memory_space<hbm>>) target(%dma_start3A_505 : memref<200x64xf32, #tpu.memory_space<vmem>>) offsets(%dma_start3A_506 : memref<200xi32, #tpu.memory_space<vmem>>) semaphore(%arg18 : memref<!tpu.dma_semaphore, #tpu.memory_space<semaphore_mem>>)
      %sub3A_510 = arith.constant 1 : i32
      %sub3A_511 = arith.subi %add3A_489, %sub3A_510 : i32
      %mul3A_512 = arith.constant 200 : i32
      %mul3A_513 = arith.muli %sub3A_511, %mul3A_512 : i32
      %dma_wait3A_514 = arith.constant 0 : i32
      %dma_wait3A_515 = arith.constant 0 : i32
      %dma_wait3A_516 = arith.constant 0 : i32
      %dma_wait3A_517 = tpu.memref_slice %arg9[%dma_wait3A_514, %dma_wait3A_515, %dma_wait3A_516] : memref<1x200x64xf32, #tpu.memory_space<vmem>> -> memref<1x200x64xf32, #tpu.memory_space<vmem>>
      %dma_wait3A_518 = tpu.memref_squeeze %dma_wait3A_517 : memref<1x200x64xf32, #tpu.memory_space<vmem>> -> memref<200x64xf32, #tpu.memory_space<vmem>>
      %dma_wait3A_519 = tpu.memref_slice %arg5[%mul3A_513] : memref<25600xi32, #tpu.memory_space<vmem>> -> memref<200xi32, #tpu.memory_space<vmem>>
      %dma_wait3A_520 = arith.constant 0 : i32
      %dma_wait3A_521 = arith.constant 0 : i32
      %dma_wait3A_522 = tpu.memref_slice %arg3[%dma_wait3A_520, %dma_wait3A_521] : memref<1000000x64xf32, #tpu.memory_space<hbm>> -> memref<1000000x64xf32, #tpu.memory_space<hbm>>
      tpu.wait_indirect_dma semaphore(%arg17 : memref<!tpu.dma_semaphore, #tpu.memory_space<semaphore_mem>>) src(%dma_wait3A_522 : memref<1000000x64xf32, #tpu.memory_space<hbm>>) dst(%dma_wait3A_518 : memref<200x64xf32, #tpu.memory_space<vmem>>)
      %sub3A_523 = arith.constant 1 : i32
      %sub3A_524 = arith.subi %add3A_489, %sub3A_523 : i32
      %add3A_525 = arith.addi %mul3A_4, %sub3A_524 : i32
      %dma_start3A_526 = arith.constant 0 : i32
      %dma_start3A_527 = arith.constant 0 : i32
      %dma_start3A_528 = tpu.memref_slice %arg4[%add3A_525, %dma_start3A_526, %dma_start3A_527] : memref<4096x200x64xf32, #tpu.memory_space<hbm>> -> memref<1x200x64xf32, #tpu.memory_space<hbm>>
      %dma_start3A_529 = arith.constant 0 : i32
      %dma_start3A_530 = arith.constant 0 : i32
      %dma_start3A_531 = tpu.memref_slice %arg4[%add3A_525, %dma_start3A_529, %dma_start3A_530] : memref<4096x200x64xf32, #tpu.memory_space<hbm>> -> memref<1x200x64xf32, #tpu.memory_space<hbm>>
      tpu.enqueue_dma source(%arg9 : memref<1x200x64xf32, #tpu.memory_space<vmem>>) target(%dma_start3A_531 : memref<1x200x64xf32, #tpu.memory_space<hbm>>) target_semaphore(%arg25 : memref<!tpu.dma_semaphore, #tpu.memory_space<semaphore_mem>>)
      %mul3A_532 = arith.constant 8 : i32
      %mul3A_533 = arith.muli %scan3A_302, %mul3A_532 : i32
      %add3A_534 = arith.constant 5 : i32
      %add3A_535 = arith.addi %mul3A_533, %add3A_534 : i32
      %sub3A_536 = arith.constant 8 : i32
      %sub3A_537 = arith.subi %add3A_535, %sub3A_536 : i32
      %add3A_538 = arith.addi %mul3A_4, %sub3A_537 : i32
      %dma_wait3A_539 = arith.constant 0 : i32
      %dma_wait3A_540 = arith.constant 0 : i32
      %dma_wait3A_541 = tpu.memref_slice %arg4[%add3A_538, %dma_wait3A_539, %dma_wait3A_540] : memref<4096x200x64xf32, #tpu.memory_space<hbm>> -> memref<1x200x64xf32, #tpu.memory_space<hbm>>
      %dma_wait3A_542 = arith.constant 0 : i32
      %dma_wait3A_543 = arith.constant 0 : i32
      %dma_wait3A_544 = tpu.memref_slice %arg4[%add3A_538, %dma_wait3A_542, %dma_wait3A_543] : memref<4096x200x64xf32, #tpu.memory_space<hbm>> -> memref<1x200x64xf32, #tpu.memory_space<hbm>>
      tpu.wait_dma2 semaphore(%arg27 : memref<!tpu.dma_semaphore, #tpu.memory_space<semaphore_mem>>) src(%arg11 : memref<1x200x64xf32, #tpu.memory_space<vmem>>) dst(%dma_wait3A_544 : memref<1x200x64xf32, #tpu.memory_space<hbm>>)
      %mul3A_545 = arith.constant 200 : i32
      %mul3A_546 = arith.muli %add3A_535, %mul3A_545 : i32
      %dma_start3A_547 = arith.constant 0 : i32
      %dma_start3A_548 = arith.constant 0 : i32
      %dma_start3A_549 = arith.constant 0 : i32
      %dma_start3A_550 = tpu.memref_slice %arg11[%dma_start3A_547, %dma_start3A_548, %dma_start3A_549] : memref<1x200x64xf32, #tpu.memory_space<vmem>> -> memref<1x200x64xf32, #tpu.memory_space<vmem>>
      %dma_start3A_551 = tpu.memref_squeeze %dma_start3A_550 : memref<1x200x64xf32, #tpu.memory_space<vmem>> -> memref<200x64xf32, #tpu.memory_space<vmem>>
      %dma_start3A_552 = tpu.memref_slice %arg5[%mul3A_546] : memref<25600xi32, #tpu.memory_space<vmem>> -> memref<200xi32, #tpu.memory_space<vmem>>
      %dma_start3A_553 = arith.constant 0 : i32
      %dma_start3A_554 = arith.constant 0 : i32
      %dma_start3A_555 = tpu.memref_slice %arg3[%dma_start3A_553, %dma_start3A_554] : memref<1000000x64xf32, #tpu.memory_space<hbm>> -> memref<1000000x64xf32, #tpu.memory_space<hbm>>
      tpu.enqueue_indirect_dma source(%dma_start3A_555 : memref<1000000x64xf32, #tpu.memory_space<hbm>>) target(%dma_start3A_551 : memref<200x64xf32, #tpu.memory_space<vmem>>) offsets(%dma_start3A_552 : memref<200xi32, #tpu.memory_space<vmem>>) semaphore(%arg19 : memref<!tpu.dma_semaphore, #tpu.memory_space<semaphore_mem>>)
      %sub3A_556 = arith.constant 1 : i32
      %sub3A_557 = arith.subi %add3A_535, %sub3A_556 : i32
      %mul3A_558 = arith.constant 200 : i32
      %mul3A_559 = arith.muli %sub3A_557, %mul3A_558 : i32
      %dma_wait3A_560 = arith.constant 0 : i32
      %dma_wait3A_561 = arith.constant 0 : i32
      %dma_wait3A_562 = arith.constant 0 : i32
      %dma_wait3A_563 = tpu.memref_slice %arg10[%dma_wait3A_560, %dma_wait3A_561, %dma_wait3A_562] : memref<1x200x64xf32, #tpu.memory_space<vmem>> -> memref<1x200x64xf32, #tpu.memory_space<vmem>>
      %dma_wait3A_564 = tpu.memref_squeeze %dma_wait3A_563 : memref<1x200x64xf32, #tpu.memory_space<vmem>> -> memref<200x64xf32, #tpu.memory_space<vmem>>
      %dma_wait3A_565 = tpu.memref_slice %arg5[%mul3A_559] : memref<25600xi32, #tpu.memory_space<vmem>> -> memref<200xi32, #tpu.memory_space<vmem>>
      %dma_wait3A_566 = arith.constant 0 : i32
      %dma_wait3A_567 = arith.constant 0 : i32
      %dma_wait3A_568 = tpu.memref_slice %arg3[%dma_wait3A_566, %dma_wait3A_567] : memref<1000000x64xf32, #tpu.memory_space<hbm>> -> memref<1000000x64xf32, #tpu.memory_space<hbm>>
      tpu.wait_indirect_dma semaphore(%arg18 : memref<!tpu.dma_semaphore, #tpu.memory_space<semaphore_mem>>) src(%dma_wait3A_568 : memref<1000000x64xf32, #tpu.memory_space<hbm>>) dst(%dma_wait3A_564 : memref<200x64xf32, #tpu.memory_space<vmem>>)
      %sub3A_569 = arith.constant 1 : i32
      %sub3A_570 = arith.subi %add3A_535, %sub3A_569 : i32
      %add3A_571 = arith.addi %mul3A_4, %sub3A_570 : i32
      %dma_start3A_572 = arith.constant 0 : i32
      %dma_start3A_573 = arith.constant 0 : i32
      %dma_start3A_574 = tpu.memref_slice %arg4[%add3A_571, %dma_start3A_572, %dma_start3A_573] : memref<4096x200x64xf32, #tpu.memory_space<hbm>> -> memref<1x200x64xf32, #tpu.memory_space<hbm>>
      %dma_start3A_575 = arith.constant 0 : i32
      %dma_start3A_576 = arith.constant 0 : i32
      %dma_start3A_577 = tpu.memref_slice %arg4[%add3A_571, %dma_start3A_575, %dma_start3A_576] : memref<4096x200x64xf32, #tpu.memory_space<hbm>> -> memref<1x200x64xf32, #tpu.memory_space<hbm>>
      tpu.enqueue_dma source(%arg10 : memref<1x200x64xf32, #tpu.memory_space<vmem>>) target(%dma_start3A_577 : memref<1x200x64xf32, #tpu.memory_space<hbm>>) target_semaphore(%arg26 : memref<!tpu.dma_semaphore, #tpu.memory_space<semaphore_mem>>)
      %mul3A_578 = arith.constant 8 : i32
      %mul3A_579 = arith.muli %scan3A_302, %mul3A_578 : i32
      %add3A_580 = arith.constant 6 : i32
      %add3A_581 = arith.addi %mul3A_579, %add3A_580 : i32
      %sub3A_582 = arith.constant 8 : i32
      %sub3A_583 = arith.subi %add3A_581, %sub3A_582 : i32
      %add3A_584 = arith.addi %mul3A_4, %sub3A_583 : i32
      %dma_wait3A_585 = arith.constant 0 : i32
      %dma_wait3A_586 = arith.constant 0 : i32
      %dma_wait3A_587 = tpu.memref_slice %arg4[%add3A_584, %dma_wait3A_585, %dma_wait3A_586] : memref<4096x200x64xf32, #tpu.memory_space<hbm>> -> memref<1x200x64xf32, #tpu.memory_space<hbm>>
      %dma_wait3A_588 = arith.constant 0 : i32
      %dma_wait3A_589 = arith.constant 0 : i32
      %dma_wait3A_590 = tpu.memref_slice %arg4[%add3A_584, %dma_wait3A_588, %dma_wait3A_589] : memref<4096x200x64xf32, #tpu.memory_space<hbm>> -> memref<1x200x64xf32, #tpu.memory_space<hbm>>
      tpu.wait_dma2 semaphore(%arg28 : memref<!tpu.dma_semaphore, #tpu.memory_space<semaphore_mem>>) src(%arg12 : memref<1x200x64xf32, #tpu.memory_space<vmem>>) dst(%dma_wait3A_590 : memref<1x200x64xf32, #tpu.memory_space<hbm>>)
      %mul3A_591 = arith.constant 200 : i32
      %mul3A_592 = arith.muli %add3A_581, %mul3A_591 : i32
      %dma_start3A_593 = arith.constant 0 : i32
      %dma_start3A_594 = arith.constant 0 : i32
      %dma_start3A_595 = arith.constant 0 : i32
      %dma_start3A_596 = tpu.memref_slice %arg12[%dma_start3A_593, %dma_start3A_594, %dma_start3A_595] : memref<1x200x64xf32, #tpu.memory_space<vmem>> -> memref<1x200x64xf32, #tpu.memory_space<vmem>>
      %dma_start3A_597 = tpu.memref_squeeze %dma_start3A_596 : memref<1x200x64xf32, #tpu.memory_space<vmem>> -> memref<200x64xf32, #tpu.memory_space<vmem>>
      %dma_start3A_598 = tpu.memref_slice %arg5[%mul3A_592] : memref<25600xi32, #tpu.memory_space<vmem>> -> memref<200xi32, #tpu.memory_space<vmem>>
      %dma_start3A_599 = arith.constant 0 : i32
      %dma_start3A_600 = arith.constant 0 : i32
      %dma_start3A_601 = tpu.memref_slice %arg3[%dma_start3A_599, %dma_start3A_600] : memref<1000000x64xf32, #tpu.memory_space<hbm>> -> memref<1000000x64xf32, #tpu.memory_space<hbm>>
      tpu.enqueue_indirect_dma source(%dma_start3A_601 : memref<1000000x64xf32, #tpu.memory_space<hbm>>) target(%dma_start3A_597 : memref<200x64xf32, #tpu.memory_space<vmem>>) offsets(%dma_start3A_598 : memref<200xi32, #tpu.memory_space<vmem>>) semaphore(%arg20 : memref<!tpu.dma_semaphore, #tpu.memory_space<semaphore_mem>>)
      %sub3A_602 = arith.constant 1 : i32
      %sub3A_603 = arith.subi %add3A_581, %sub3A_602 : i32
      %mul3A_604 = arith.constant 200 : i32
      %mul3A_605 = arith.muli %sub3A_603, %mul3A_604 : i32
      %dma_wait3A_606 = arith.constant 0 : i32
      %dma_wait3A_607 = arith.constant 0 : i32
      %dma_wait3A_608 = arith.constant 0 : i32
      %dma_wait3A_609 = tpu.memref_slice %arg11[%dma_wait3A_606, %dma_wait3A_607, %dma_wait3A_608] : memref<1x200x64xf32, #tpu.memory_space<vmem>> -> memref<1x200x64xf32, #tpu.memory_space<vmem>>
      %dma_wait3A_610 = tpu.memref_squeeze %dma_wait3A_609 : memref<1x200x64xf32, #tpu.memory_space<vmem>> -> memref<200x64xf32, #tpu.memory_space<vmem>>
      %dma_wait3A_611 = tpu.memref_slice %arg5[%mul3A_605] : memref<25600xi32, #tpu.memory_space<vmem>> -> memref<200xi32, #tpu.memory_space<vmem>>
      %dma_wait3A_612 = arith.constant 0 : i32
      %dma_wait3A_613 = arith.constant 0 : i32
      %dma_wait3A_614 = tpu.memref_slice %arg3[%dma_wait3A_612, %dma_wait3A_613] : memref<1000000x64xf32, #tpu.memory_space<hbm>> -> memref<1000000x64xf32, #tpu.memory_space<hbm>>
      tpu.wait_indirect_dma semaphore(%arg19 : memref<!tpu.dma_semaphore, #tpu.memory_space<semaphore_mem>>) src(%dma_wait3A_614 : memref<1000000x64xf32, #tpu.memory_space<hbm>>) dst(%dma_wait3A_610 : memref<200x64xf32, #tpu.memory_space<vmem>>)
      %sub3A_615 = arith.constant 1 : i32
      %sub3A_616 = arith.subi %add3A_581, %sub3A_615 : i32
      %add3A_617 = arith.addi %mul3A_4, %sub3A_616 : i32
      %dma_start3A_618 = arith.constant 0 : i32
      %dma_start3A_619 = arith.constant 0 : i32
      %dma_start3A_620 = tpu.memref_slice %arg4[%add3A_617, %dma_start3A_618, %dma_start3A_619] : memref<4096x200x64xf32, #tpu.memory_space<hbm>> -> memref<1x200x64xf32, #tpu.memory_space<hbm>>
      %dma_start3A_621 = arith.constant 0 : i32
      %dma_start3A_622 = arith.constant 0 : i32
      %dma_start3A_623 = tpu.memref_slice %arg4[%add3A_617, %dma_start3A_621, %dma_start3A_622] : memref<4096x200x64xf32, #tpu.memory_space<hbm>> -> memref<1x200x64xf32, #tpu.memory_space<hbm>>
      tpu.enqueue_dma source(%arg11 : memref<1x200x64xf32, #tpu.memory_space<vmem>>) target(%dma_start3A_623 : memref<1x200x64xf32, #tpu.memory_space<hbm>>) target_semaphore(%arg27 : memref<!tpu.dma_semaphore, #tpu.memory_space<semaphore_mem>>)
      %mul3A_624 = arith.constant 8 : i32
      %mul3A_625 = arith.muli %scan3A_302, %mul3A_624 : i32
      %add3A_626 = arith.constant 7 : i32
      %add3A_627 = arith.addi %mul3A_625, %add3A_626 : i32
      %sub3A_628 = arith.constant 8 : i32
      %sub3A_629 = arith.subi %add3A_627, %sub3A_628 : i32
      %add3A_630 = arith.addi %mul3A_4, %sub3A_629 : i32
      %dma_wait3A_631 = arith.constant 0 : i32
      %dma_wait3A_632 = arith.constant 0 : i32
      %dma_wait3A_633 = tpu.memref_slice %arg4[%add3A_630, %dma_wait3A_631, %dma_wait3A_632] : memref<4096x200x64xf32, #tpu.memory_space<hbm>> -> memref<1x200x64xf32, #tpu.memory_space<hbm>>
      %dma_wait3A_634 = arith.constant 0 : i32
      %dma_wait3A_635 = arith.constant 0 : i32
      %dma_wait3A_636 = tpu.memref_slice %arg4[%add3A_630, %dma_wait3A_634, %dma_wait3A_635] : memref<4096x200x64xf32, #tpu.memory_space<hbm>> -> memref<1x200x64xf32, #tpu.memory_space<hbm>>
      tpu.wait_dma2 semaphore(%arg29 : memref<!tpu.dma_semaphore, #tpu.memory_space<semaphore_mem>>) src(%arg13 : memref<1x200x64xf32, #tpu.memory_space<vmem>>) dst(%dma_wait3A_636 : memref<1x200x64xf32, #tpu.memory_space<hbm>>)
      %mul3A_637 = arith.constant 200 : i32
      %mul3A_638 = arith.muli %add3A_627, %mul3A_637 : i32
      %dma_start3A_639 = arith.constant 0 : i32
      %dma_start3A_640 = arith.constant 0 : i32
      %dma_start3A_641 = arith.constant 0 : i32
      %dma_start3A_642 = tpu.memref_slice %arg13[%dma_start3A_639, %dma_start3A_640, %dma_start3A_641] : memref<1x200x64xf32, #tpu.memory_space<vmem>> -> memref<1x200x64xf32, #tpu.memory_space<vmem>>
      %dma_start3A_643 = tpu.memref_squeeze %dma_start3A_642 : memref<1x200x64xf32, #tpu.memory_space<vmem>> -> memref<200x64xf32, #tpu.memory_space<vmem>>
      %dma_start3A_644 = tpu.memref_slice %arg5[%mul3A_638] : memref<25600xi32, #tpu.memory_space<vmem>> -> memref<200xi32, #tpu.memory_space<vmem>>
      %dma_start3A_645 = arith.constant 0 : i32
      %dma_start3A_646 = arith.constant 0 : i32
      %dma_start3A_647 = tpu.memref_slice %arg3[%dma_start3A_645, %dma_start3A_646] : memref<1000000x64xf32, #tpu.memory_space<hbm>> -> memref<1000000x64xf32, #tpu.memory_space<hbm>>
      tpu.enqueue_indirect_dma source(%dma_start3A_647 : memref<1000000x64xf32, #tpu.memory_space<hbm>>) target(%dma_start3A_643 : memref<200x64xf32, #tpu.memory_space<vmem>>) offsets(%dma_start3A_644 : memref<200xi32, #tpu.memory_space<vmem>>) semaphore(%arg21 : memref<!tpu.dma_semaphore, #tpu.memory_space<semaphore_mem>>)
      %sub3A_648 = arith.constant 1 : i32
      %sub3A_649 = arith.subi %add3A_627, %sub3A_648 : i32
      %mul3A_650 = arith.constant 200 : i32
      %mul3A_651 = arith.muli %sub3A_649, %mul3A_650 : i32
      %dma_wait3A_652 = arith.constant 0 : i32
      %dma_wait3A_653 = arith.constant 0 : i32
      %dma_wait3A_654 = arith.constant 0 : i32
      %dma_wait3A_655 = tpu.memref_slice %arg12[%dma_wait3A_652, %dma_wait3A_653, %dma_wait3A_654] : memref<1x200x64xf32, #tpu.memory_space<vmem>> -> memref<1x200x64xf32, #tpu.memory_space<vmem>>
      %dma_wait3A_656 = tpu.memref_squeeze %dma_wait3A_655 : memref<1x200x64xf32, #tpu.memory_space<vmem>> -> memref<200x64xf32, #tpu.memory_space<vmem>>
      %dma_wait3A_657 = tpu.memref_slice %arg5[%mul3A_651] : memref<25600xi32, #tpu.memory_space<vmem>> -> memref<200xi32, #tpu.memory_space<vmem>>
      %dma_wait3A_658 = arith.constant 0 : i32
      %dma_wait3A_659 = arith.constant 0 : i32
      %dma_wait3A_660 = tpu.memref_slice %arg3[%dma_wait3A_658, %dma_wait3A_659] : memref<1000000x64xf32, #tpu.memory_space<hbm>> -> memref<1000000x64xf32, #tpu.memory_space<hbm>>
      tpu.wait_indirect_dma semaphore(%arg20 : memref<!tpu.dma_semaphore, #tpu.memory_space<semaphore_mem>>) src(%dma_wait3A_660 : memref<1000000x64xf32, #tpu.memory_space<hbm>>) dst(%dma_wait3A_656 : memref<200x64xf32, #tpu.memory_space<vmem>>)
      %sub3A_661 = arith.constant 1 : i32
      %sub3A_662 = arith.subi %add3A_627, %sub3A_661 : i32
      %add3A_663 = arith.addi %mul3A_4, %sub3A_662 : i32
      %dma_start3A_664 = arith.constant 0 : i32
      %dma_start3A_665 = arith.constant 0 : i32
      %dma_start3A_666 = tpu.memref_slice %arg4[%add3A_663, %dma_start3A_664, %dma_start3A_665] : memref<4096x200x64xf32, #tpu.memory_space<hbm>> -> memref<1x200x64xf32, #tpu.memory_space<hbm>>
      %dma_start3A_667 = arith.constant 0 : i32
      %dma_start3A_668 = arith.constant 0 : i32
      %dma_start3A_669 = tpu.memref_slice %arg4[%add3A_663, %dma_start3A_667, %dma_start3A_668] : memref<4096x200x64xf32, #tpu.memory_space<hbm>> -> memref<1x200x64xf32, #tpu.memory_space<hbm>>
      tpu.enqueue_dma source(%arg12 : memref<1x200x64xf32, #tpu.memory_space<vmem>>) target(%dma_start3A_669 : memref<1x200x64xf32, #tpu.memory_space<hbm>>) target_semaphore(%arg28 : memref<!tpu.dma_semaphore, #tpu.memory_space<semaphore_mem>>)
    }
    %scan3A_219 = arith.constant 15 : i32
    %dma_wait3A_220 = arith.constant 0 : i32
    %dma_wait3A_221 = arith.constant 0 : i32
    %dma_wait3A_222 = arith.constant 0 : i32
    %dma_wait3A_223 = tpu.memref_slice %arg13[%dma_wait3A_220, %dma_wait3A_221, %dma_wait3A_222] : memref<1x200x64xf32, #tpu.memory_space<vmem>> -> memref<1x200x64xf32, #tpu.memory_space<vmem>>
    %dma_wait3A_224 = tpu.memref_squeeze %dma_wait3A_223 : memref<1x200x64xf32, #tpu.memory_space<vmem>> -> memref<200x64xf32, #tpu.memory_space<vmem>>
    %dma_wait3A_225 = arith.constant 25400 : i32
    %dma_wait3A_226 = tpu.memref_slice %arg5[%dma_wait3A_225] : memref<25600xi32, #tpu.memory_space<vmem>> -> memref<200xi32, #tpu.memory_space<vmem>>
    %dma_wait3A_227 = arith.constant 0 : i32
    %dma_wait3A_228 = arith.constant 0 : i32
    %dma_wait3A_229 = tpu.memref_slice %arg3[%dma_wait3A_227, %dma_wait3A_228] : memref<1000000x64xf32, #tpu.memory_space<hbm>> -> memref<1000000x64xf32, #tpu.memory_space<hbm>>
    tpu.wait_indirect_dma semaphore(%arg21 : memref<!tpu.dma_semaphore, #tpu.memory_space<semaphore_mem>>) src(%dma_wait3A_229 : memref<1000000x64xf32, #tpu.memory_space<hbm>>) dst(%dma_wait3A_224 : memref<200x64xf32, #tpu.memory_space<vmem>>)
    %add3A_230 = arith.constant 127 : i32
    %add3A_231 = arith.addi %mul3A_4, %add3A_230 : i32
    %dma_start3A_232 = arith.constant 0 : i32
    %dma_start3A_233 = arith.constant 0 : i32
    %dma_start3A_234 = tpu.memref_slice %arg4[%add3A_231, %dma_start3A_232, %dma_start3A_233] : memref<4096x200x64xf32, #tpu.memory_space<hbm>> -> memref<1x200x64xf32, #tpu.memory_space<hbm>>
    %dma_start3A_235 = arith.constant 0 : i32
    %dma_start3A_236 = arith.constant 0 : i32
    %dma_start3A_237 = tpu.memref_slice %arg4[%add3A_231, %dma_start3A_235, %dma_start3A_236] : memref<4096x200x64xf32, #tpu.memory_space<hbm>> -> memref<1x200x64xf32, #tpu.memory_space<hbm>>
    tpu.enqueue_dma source(%arg13 : memref<1x200x64xf32, #tpu.memory_space<vmem>>) target(%dma_start3A_237 : memref<1x200x64xf32, #tpu.memory_space<hbm>>) target_semaphore(%arg29 : memref<!tpu.dma_semaphore, #tpu.memory_space<semaphore_mem>>)
    %add3A_238 = arith.constant 120 : i32
    %add3A_239 = arith.addi %mul3A_4, %add3A_238 : i32
    %dma_wait3A_240 = arith.constant 0 : i32
    %dma_wait3A_241 = arith.constant 0 : i32
    %dma_wait3A_242 = tpu.memref_slice %arg4[%add3A_239, %dma_wait3A_240, %dma_wait3A_241] : memref<4096x200x64xf32, #tpu.memory_space<hbm>> -> memref<1x200x64xf32, #tpu.memory_space<hbm>>
    %dma_wait3A_243 = arith.constant 0 : i32
    %dma_wait3A_244 = arith.constant 0 : i32
    %dma_wait3A_245 = tpu.memref_slice %arg4[%add3A_239, %dma_wait3A_243, %dma_wait3A_244] : memref<4096x200x64xf32, #tpu.memory_space<hbm>> -> memref<1x200x64xf32, #tpu.memory_space<hbm>>
    tpu.wait_dma2 semaphore(%arg22 : memref<!tpu.dma_semaphore, #tpu.memory_space<semaphore_mem>>) src(%arg6 : memref<1x200x64xf32, #tpu.memory_space<vmem>>) dst(%dma_wait3A_245 : memref<1x200x64xf32, #tpu.memory_space<hbm>>)
    %add3A_246 = arith.constant 121 : i32
    %add3A_247 = arith.addi %mul3A_4, %add3A_246 : i32
    %dma_wait3A_248 = arith.constant 0 : i32
    %dma_wait3A_249 = arith.constant 0 : i32
    %dma_wait3A_250 = tpu.memref_slice %arg4[%add3A_247, %dma_wait3A_248, %dma_wait3A_249] : memref<4096x200x64xf32, #tpu.memory_space<hbm>> -> memref<1x200x64xf32, #tpu.memory_space<hbm>>
    %dma_wait3A_251 = arith.constant 0 : i32
    %dma_wait3A_252 = arith.constant 0 : i32
    %dma_wait3A_253 = tpu.memref_slice %arg4[%add3A_247, %dma_wait3A_251, %dma_wait3A_252] : memref<4096x200x64xf32, #tpu.memory_space<hbm>> -> memref<1x200x64xf32, #tpu.memory_space<hbm>>
    tpu.wait_dma2 semaphore(%arg23 : memref<!tpu.dma_semaphore, #tpu.memory_space<semaphore_mem>>) src(%arg7 : memref<1x200x64xf32, #tpu.memory_space<vmem>>) dst(%dma_wait3A_253 : memref<1x200x64xf32, #tpu.memory_space<hbm>>)
    %add3A_254 = arith.constant 122 : i32
    %add3A_255 = arith.addi %mul3A_4, %add3A_254 : i32
    %dma_wait3A_256 = arith.constant 0 : i32
    %dma_wait3A_257 = arith.constant 0 : i32
    %dma_wait3A_258 = tpu.memref_slice %arg4[%add3A_255, %dma_wait3A_256, %dma_wait3A_257] : memref<4096x200x64xf32, #tpu.memory_space<hbm>> -> memref<1x200x64xf32, #tpu.memory_space<hbm>>
    %dma_wait3A_259 = arith.constant 0 : i32
    %dma_wait3A_260 = arith.constant 0 : i32
    %dma_wait3A_261 = tpu.memref_slice %arg4[%add3A_255, %dma_wait3A_259, %dma_wait3A_260] : memref<4096x200x64xf32, #tpu.memory_space<hbm>> -> memref<1x200x64xf32, #tpu.memory_space<hbm>>
    tpu.wait_dma2 semaphore(%arg24 : memref<!tpu.dma_semaphore, #tpu.memory_space<semaphore_mem>>) src(%arg8 : memref<1x200x64xf32, #tpu.memory_space<vmem>>) dst(%dma_wait3A_261 : memref<1x200x64xf32, #tpu.memory_space<hbm>>)
    %add3A_262 = arith.constant 123 : i32
    %add3A_263 = arith.addi %mul3A_4, %add3A_262 : i32
    %dma_wait3A_264 = arith.constant 0 : i32
    %dma_wait3A_265 = arith.constant 0 : i32
    %dma_wait3A_266 = tpu.memref_slice %arg4[%add3A_263, %dma_wait3A_264, %dma_wait3A_265] : memref<4096x200x64xf32, #tpu.memory_space<hbm>> -> memref<1x200x64xf32, #tpu.memory_space<hbm>>
    %dma_wait3A_267 = arith.constant 0 : i32
    %dma_wait3A_268 = arith.constant 0 : i32
    %dma_wait3A_269 = tpu.memref_slice %arg4[%add3A_263, %dma_wait3A_267, %dma_wait3A_268] : memref<4096x200x64xf32, #tpu.memory_space<hbm>> -> memref<1x200x64xf32, #tpu.memory_space<hbm>>
    tpu.wait_dma2 semaphore(%arg25 : memref<!tpu.dma_semaphore, #tpu.memory_space<semaphore_mem>>) src(%arg9 : memref<1x200x64xf32, #tpu.memory_space<vmem>>) dst(%dma_wait3A_269 : memref<1x200x64xf32, #tpu.memory_space<hbm>>)
    %add3A_270 = arith.constant 124 : i32
    %add3A_271 = arith.addi %mul3A_4, %add3A_270 : i32
    %dma_wait3A_272 = arith.constant 0 : i32
    %dma_wait3A_273 = arith.constant 0 : i32
    %dma_wait3A_274 = tpu.memref_slice %arg4[%add3A_271, %dma_wait3A_272, %dma_wait3A_273] : memref<4096x200x64xf32, #tpu.memory_space<hbm>> -> memref<1x200x64xf32, #tpu.memory_space<hbm>>
    %dma_wait3A_275 = arith.constant 0 : i32
    %dma_wait3A_276 = arith.constant 0 : i32
    %dma_wait3A_277 = tpu.memref_slice %arg4[%add3A_271, %dma_wait3A_275, %dma_wait3A_276] : memref<4096x200x64xf32, #tpu.memory_space<hbm>> -> memref<1x200x64xf32, #tpu.memory_space<hbm>>
    tpu.wait_dma2 semaphore(%arg26 : memref<!tpu.dma_semaphore, #tpu.memory_space<semaphore_mem>>) src(%arg10 : memref<1x200x64xf32, #tpu.memory_space<vmem>>) dst(%dma_wait3A_277 : memref<1x200x64xf32, #tpu.memory_space<hbm>>)
    %add3A_278 = arith.constant 125 : i32
    %add3A_279 = arith.addi %mul3A_4, %add3A_278 : i32
    %dma_wait3A_280 = arith.constant 0 : i32
    %dma_wait3A_281 = arith.constant 0 : i32
    %dma_wait3A_282 = tpu.memref_slice %arg4[%add3A_279, %dma_wait3A_280, %dma_wait3A_281] : memref<4096x200x64xf32, #tpu.memory_space<hbm>> -> memref<1x200x64xf32, #tpu.memory_space<hbm>>
    %dma_wait3A_283 = arith.constant 0 : i32
    %dma_wait3A_284 = arith.constant 0 : i32
    %dma_wait3A_285 = tpu.memref_slice %arg4[%add3A_279, %dma_wait3A_283, %dma_wait3A_284] : memref<4096x200x64xf32, #tpu.memory_space<hbm>> -> memref<1x200x64xf32, #tpu.memory_space<hbm>>
    tpu.wait_dma2 semaphore(%arg27 : memref<!tpu.dma_semaphore, #tpu.memory_space<semaphore_mem>>) src(%arg11 : memref<1x200x64xf32, #tpu.memory_space<vmem>>) dst(%dma_wait3A_285 : memref<1x200x64xf32, #tpu.memory_space<hbm>>)
    %add3A_286 = arith.constant 126 : i32
    %add3A_287 = arith.addi %mul3A_4, %add3A_286 : i32
    %dma_wait3A_288 = arith.constant 0 : i32
    %dma_wait3A_289 = arith.constant 0 : i32
    %dma_wait3A_290 = tpu.memref_slice %arg4[%add3A_287, %dma_wait3A_288, %dma_wait3A_289] : memref<4096x200x64xf32, #tpu.memory_space<hbm>> -> memref<1x200x64xf32, #tpu.memory_space<hbm>>
    %dma_wait3A_291 = arith.constant 0 : i32
    %dma_wait3A_292 = arith.constant 0 : i32
    %dma_wait3A_293 = tpu.memref_slice %arg4[%add3A_287, %dma_wait3A_291, %dma_wait3A_292] : memref<4096x200x64xf32, #tpu.memory_space<hbm>> -> memref<1x200x64xf32, #tpu.memory_space<hbm>>
    tpu.wait_dma2 semaphore(%arg28 : memref<!tpu.dma_semaphore, #tpu.memory_space<semaphore_mem>>) src(%arg12 : memref<1x200x64xf32, #tpu.memory_space<vmem>>) dst(%dma_wait3A_293 : memref<1x200x64xf32, #tpu.memory_space<hbm>>)
    %add3A_294 = arith.constant 127 : i32
    %add3A_295 = arith.addi %mul3A_4, %add3A_294 : i32
    %dma_wait3A_296 = arith.constant 0 : i32
    %dma_wait3A_297 = arith.constant 0 : i32
    %dma_wait3A_298 = tpu.memref_slice %arg4[%add3A_295, %dma_wait3A_296, %dma_wait3A_297] : memref<4096x200x64xf32, #tpu.memory_space<hbm>> -> memref<1x200x64xf32, #tpu.memory_space<hbm>>
    %dma_wait3A_299 = arith.constant 0 : i32
    %dma_wait3A_300 = arith.constant 0 : i32
    %dma_wait3A_301 = tpu.memref_slice %arg4[%add3A_295, %dma_wait3A_299, %dma_wait3A_300] : memref<4096x200x64xf32, #tpu.memory_space<hbm>> -> memref<1x200x64xf32, #tpu.memory_space<hbm>>
    tpu.wait_dma2 semaphore(%arg29 : memref<!tpu.dma_semaphore, #tpu.memory_space<semaphore_mem>>) src(%arg13 : memref<1x200x64xf32, #tpu.memory_space<vmem>>) dst(%dma_wait3A_301 : memref<1x200x64xf32, #tpu.memory_space<hbm>>)
    return
  }
}

</mosaic_0001>

<sc_bundles>
// kernel: kernel.3.cloned.1.call-start
scs
__scs_entry_jumppad:
0x0: {  	(pc) =	sbr.rel $0x88, $3  }
0x1: {  	(tag) =	ssettag $0x0;
	lr =	simm.s32 $0x1  }
0x2: {  	[smem:$0x3F9F] =	sst lr;
	_ =	strace $0xD0000000  }
0x3: {  	_ = 	snop  }
0x4: {  	_ = 	snop  }
0x5: {  	_ = 	snop  }
0x6: {  	_ = 	snop  }
0x7: {  	_ = 	snop  }
__scs_overlays_trampoline_lowered:
0x8: {  	[smem:$0x3FAE] =	sst s0  }
0x9: {  	[smem:$0x3FAF] =	sst s1  }
0xa: {  	[smem:$0x3FB0] =	sst s2  }
0xb: {  	[smem:$0x3FB1] =	sst s3  }
0xc: {  	[smem:$0x3FB2] =	sst s4  }
0xd: {  	[smem:$0x3FB3] =	sst s5  }
0xe: {  	[smem:$0x3FB4] =	sst s6  }
0xf: {  	[smem:$0x3FB5] =	sst s7  }
0x10: {  	[smem:$0x3FB6] =	sst s8  }
0x11: {  	[smem:$0x3FB7] =	sst s9;
	s0 =	simm.s32 @!p0 $0x0  }
0x12: {  	s1 =	sld [smem:$0x3F9D];
	s0 =	simm.s32 @p0 $0x1  }
0x13: {  	[smem:$0x3FB8] =	sst s0;
	s0 =	simm.s32 @!p1 $0x0  }
0x14: {  	s2 =	sld [smem:$0x3F9C];
	s0 =	simm.s32 @p1 $0x1  }
0x15: {  	[smem:$0x3FB9] =	sst s0;
	s0 =	simm.s32 @!p2 $0x0  }
0x16: {  	s3 =	sld [smem:$0x3FDB];
	s0 =	simm.s32 @p2 $0x1  }
0x17: {  	s4 =	simm.s32 $0x1BF5;
	[smem:$0x3FBB] =	sst s0  }
0x18: {  	s0 =	sld [smem:$0x3F9E];
	_ =	swait.ge [sflag:s4], $0x0  }
0x19: {  	s7 =	sld [smem:$0x3F9F]  }
0x1a: {  	s8 =	sadd.s32 $0xFFFFE003, lr  }
0x1b: {  	s9 =	sadd.s32 $0xFFFFFEF7, lr;
	s5 =	simm.s32 $0xFFFFFFFF;
	p2 =	slt.u32 s8, $0xFFFFF086  }
0x1c: {  	p1 =	slt.u32 s9, $0xF7A;
	s5 =	simm.s32 @!p2 $0x0  }
0x1d: {  	s5 =	simm.s32 @p1 $0x1;
	p0 =	seq.s32 s7, s2  }
0x1e: {  	s7 =	smul.u32 @!p0 $0xF7A, s2;
	p2 =	seq.s32 @!p0 s5, $0x0  }
0x1f: {  	s9 =	smul.u32 $0xF7A, s1;
	s8 =	simm.s32 @!p0 $0x1BF5;
	p2 =	por !p2, p0  }
0x20: {  	[sflag:s8] =	ssyncset.s32 @!p0 $0xFFFFF086;
	s6 =	sadd.s32 @!p0 s3, s7;
	s7 =	simm.s32 @!p0 $0x108  }
0x21: {  	s3 =	sadd.s32 s3, s9;
	s6 =	sadd.s32 @!p0 $0x88, s6;
	s7 =	simm.s32 @p2 $0x1082  }
0x22: {  	[simem:s7], [sflag:s8] =	dma.local @!p0 [hbm:s6], $0xF7A  }
0x23: {  	s9 =	sor.u32 $0xD0000000, s2;
	s6 =	simm.s32 $0x108;
	_ =	swait.ge @!p0 [sflag:s8], $0x0  }
0x24: {  	s3 =	sadd.s32 $0x88, s3;
	s6 =	simm.s32 @!p1 $0x1082;
	[sflag:s4] =	ssyncset.s32 $0xFFFFF086  }
0x25: {  	[simem:s6], [sflag:s4] =	dma.local [hbm:s3], $0xF7A  }
0x26: {  	[smem:$0x3F9F] =	sst s1;
	(tag) =	ssettag s2;
	_ =	strace s9  }
0x27: {  	s1 =	sld [smem:$0x3FAF]  }
0x28: {  	s2 =	sld [smem:$0x3FB0]  }
0x29: {  	s4 =	sld [smem:$0x3FB2]  }
0x2a: {  	p0 =	seq.s32 s5, $0x0;
	s5 =	sld [smem:$0x3FB3]  }
0x2b: {  	s6 =	sld [smem:$0x3FB4]  }
0x2c: {  	s7 =	sld [smem:$0x3FB5]  }
0x2d: {  	s3 =	simm.s32 $0x108;
	s8 =	sld [smem:$0x3FB6]  }
0x2e: {  	s3 =	simm.s32 @!p0 $0x1082;
	s9 =	sld [smem:$0x3FB7]  }
0x2f: {  	lr =	sadd.s32 s0, s3;
	s0 =	sld [smem:$0x3FAE]  }
0x30: {  	s3 =	sld [smem:$0x3FB1]  }
0x31: {  	[smem:$0x3FBA] =	sst s10  }
0x32: {  	s10 =	sld [smem:$0x3FB8];
	_ =	sdelay $0x3  }
0x33: {  	p0 =	seq.s32 s10, $0x1;
	s10 =	sld [smem:$0x3FBA];
	_ =	sdelay $0x3  }
0x34: {  	[smem:$0x3FBA] =	sst s10  }
0x35: {  	s10 =	sld [smem:$0x3FB9];
	_ =	sdelay $0x3  }
0x36: {  	p1 =	seq.s32 s10, $0x1;
	s10 =	sld [smem:$0x3FBA];
	_ =	sdelay $0x3  }
0x37: {  	[smem:$0x3FBA] =	sst s10  }
0x38: {  	s10 =	sld [smem:$0x3FBB]  }
0x39: {  	_ = 	snop;
	(pc) =	sbr.ind lr, $3  }
0x3a: {  	_ = 	snop  }
0x3b: {  	_ = 	snop  }
0x3c: {  	p2 =	seq.s32 s10, $0x1;
	s10 =	sld [smem:$0x3FBA]  }
0x3d: {  	_ =	shalt  }
0x3e: {  	_ =	shalt  }
0x3f: {  	_ =	shalt  }
0x40: {  	_ =	shalt  }
0x41: {  	_ =	shalt  }
0x42: {  	_ =	shalt  }
0x43: {  	_ =	shalt  }
0x44: {  	_ =	shalt  }
0x45: {  	_ =	shalt  }
0x46: {  	_ =	shalt  }
0x47: {  	_ =	shalt  }
0x48: {  	_ =	shalt  }
0x49: {  	_ =	shalt  }
0x4a: {  	_ =	shalt  }
0x4b: {  	_ =	shalt  }
0x4c: {  	_ =	shalt  }
0x4d: {  	_ =	shalt  }
0x4e: {  	_ =	shalt  }
0x4f: {  	_ =	shalt  }
0x50: {  	_ =	shalt  }
0x51: {  	_ =	shalt  }
0x52: {  	_ =	shalt  }
0x53: {  	_ =	shalt  }
0x54: {  	_ =	shalt  }
0x55: {  	_ =	shalt  }
0x56: {  	_ =	shalt  }
0x57: {  	_ =	shalt  }
0x58: {  	_ =	shalt  }
0x59: {  	_ =	shalt  }
0x5a: {  	_ =	shalt  }
0x5b: {  	_ =	shalt  }
0x5c: {  	_ =	shalt  }
0x5d: {  	_ =	shalt  }
0x5e: {  	_ =	shalt  }
0x5f: {  	_ =	shalt  }
0x60: {  	_ =	shalt  }
0x61: {  	_ =	shalt  }
0x62: {  	_ =	shalt  }
0x63: {  	_ =	shalt  }
0x64: {  	_ =	shalt  }
0x65: {  	_ =	shalt  }
0x66: {  	_ =	shalt  }
0x67: {  	_ =	shalt  }
0x68: {  	_ =	shalt  }
0x69: {  	_ =	shalt  }
0x6a: {  	_ =	shalt  }
0x6b: {  	_ =	shalt  }
0x6c: {  	_ =	shalt  }
0x6d: {  	_ =	shalt  }
0x6e: {  	_ =	shalt  }
0x6f: {  	_ =	shalt  }
0x70: {  	_ =	shalt  }
0x71: {  	_ =	shalt  }
0x72: {  	_ =	shalt  }
0x73: {  	_ =	shalt  }
0x74: {  	_ =	shalt  }
0x75: {  	_ =	shalt  }
0x76: {  	_ =	shalt  }
0x77: {  	_ =	shalt  }
0x78: {  	_ =	shalt  }
0x79: {  	_ =	shalt  }
0x7a: {  	_ =	shalt  }
0x7b: {  	_ =	shalt  }
0x7c: {  	_ =	shalt  }
0x7d: {  	_ =	shalt  }
0x7e: {  	_ =	shalt  }
0x7f: {  	_ =	shalt  }
0x80: {  	_ =	shalt  }
0x81: {  	_ =	shalt  }
0x82: {  	_ =	shalt  }
0x83: {  	_ =	shalt  }
0x84: {  	_ =	shalt  }
0x85: {  	_ =	shalt  }
0x86: {  	_ =	shalt  }
0x87: {  	_ =	shalt  }
.Lfunc_end0:
.L_simem_size_0:
called_computation.1_lowered:
.L_overlay_start_0:
0x88: {  	s2 =	sld [smem:$0x3FD9]  }
0x89: {  	s3 =	sld [smem:$0x3FFE];
	_ =	sdelay $0x1  }
0x8a: {  	s1 =	srdreg.scid  }
0x8b: {  	s0 =	sand.u32 $0x1, s1  }
0x8c: {  	s17 =	sshll.u32 s0, $0xA;
	s2 =	sadd.s32 s3, s2  }
0x8d: {  	s2 =	sadd.s32 s2, s17  }
0x8e: {  	[smem:$0x3FC6] =	sst s2  }
0x8f: {  	_ = 	snop  }
0x90: {  	s2 =	sld [smem:$0x3FD0];
	(tm) =	ssettm $0x1  }
0x91: {  	s18 =	sld [smem:$0x3FFB];
	_ =	sdelay $0x3  }
0x92: {  	_ =	strace s18  }
0x93: {  	s3 =	sld [smem:$0x3FFC];
	_ =	sdelay $0x3  }
0x94: {  	_ =	strace s3  }
0x95: {  	s3 =	sld [smem:$0x3FFD];
	_ =	sdelay $0x3  }
0x96: {  	_ =	strace s3  }
0x97: {  	_ =	strace $0x8FFFFFFF  }
0x98: {  	s19 =	sld [smem:$0x3FDB];
	_ =	sdelay $0x1  }
0x99: {  	s4 =	simm.s32 $_scs_section_size  }
0x9a: {  	s5 =	simm.s32 $_size__tile_overlayer_lowered;
	s6 =	simm.s32 $_tile_overlayer_lowered  }
0x9b: {  	s22 =	simm.s32 $0x1BFF;
	s21 =	sshll.u32 s6, $0x1;
	s3 =	sadd.s32 s4, s19  }
0x9c: {  	s7 =	simm.s32 $0x0;
	s20 =	sshll.u32 s5, $0x1;
	s5 =	sadd.s32 s21, s3  }
0x9d: {  	[timem:s7], [sflag:s22] =	dma.local [hbm:s5], s20  }
0x9e: {  	_ =	swait.ge [sflag:s22], s20  }
0x9f: {  	s4 =	ssub.s32 $0x0, s20;
	[sflag:s22] =	ssyncset.done $0x0  }
0xa0: {  	[sflag:s22] =	ssyncadd.s32 s4;
	_ =	sdelay $0x1  }
0xa1: {  	s23 =	simm.s32 $0x1B8B  }
0xa2: {  	_ =	swait.ge [sflag:s23], $0x1  }
0xa3: {  	[sflag:s23] =	ssyncset.done $0x0  }
0xa4: {  	s25 =	simm.s32 $0x1B8E;
	s24 =	sld [smem:$0x3FFE];
	[sflag:s23] =	ssyncadd.s32 $0xFFFFFFFF  }
0xa5: {  	s26 =	simm.s32 $execute0_lowered;
	[smem:$0x3FD2] =	sst s25  }
0xa6: {  	s5 =	sshll.u32 s26, $0x1;
	_ =	strace $0x80000046;
	[dreg:$0x1] =	wrdreg $0xFFFFFFFF  }
0xa7: {  	s28 =	simm.s32 $_size_execute0_lowered;
	s3 =	sadd.s32 s3, s5;
	[dreg:$0x0] =	wrdreg $0x0  }
0xa8: {  	s5 =	sshll.u32 s28, $0x1;
	[dreg:$0x2] =	wrdreg s3  }
0xa9: {  	[dreg:$0x3] =	wrdreg s5  }
0xaa: {  	[dreg:$0x4] =	wrdreg $0xC0  }
0xab: {  	_ =	task [dreg:s7], $0x5FFFF  }
0xac: {  	[dreg:$0x1] =	wrdreg $0xFFFFFFFF  }
0xad: {  	[dreg:$0x0] =	wrdreg $0x60  }
0xae: {  	[dreg:$0x2] =	wrdreg s24  }
0xaf: {  	[dreg:$0x3] =	wrdreg s2  }
0xb0: {  	[dreg:$0x4] =	wrdreg $0x9  }
0xb1: {  	_ =	task.clear_ibuf [dreg:s7], $0x5FFFF;
	_ =	strace $0x90000046  }
0xb2: {  	s29 =	simm.s32 $0x9;
	_ =	strace $0x80000048  }
0xb3: {  	_ =	swait.ge [sflag:s29], $0x1  }
0xb4: {  	[sflag:s29] =	ssyncadd.s32 $0xFFFFFFFF  }
0xb5: {  	_ =	strace $0x90000048  }
0xb6: {  	_ =	sfence  }
0xb7: {  	s30 =	sld [smem:$0x0];
	_ =	sdelay $0x2  }
0xb8: {  	s31 =	sshll.u32 s1, $0xD;
	s1 =	sshrl.u32 s1, $0x2  }
0xb9: {  	s3 =	sand.u32 $0x4000, s31;
	s1 =	sadd.s32 s1, s30  }
0xba: {  	s0 =	sor.u32 s3, s0;
	s1 =	sshll.u32 s1, $0x11  }
0xbb: {  	s0 =	sor.u32 s1, s0  }
0xbc: {  	s0 =	sadd.s32 $0x8F2B, s0  }
0xbd: {  	[sflag:s0] =	ssyncadd.remote.s32 $0x1  }
0xbe: {  	_ =	sfence.sel $0xFFFF  }
0xbf: {  	[dreg:$0x0] =	wrdreg $0xFFFFFFFF;
	(pc) =	sbr.abs _section_cstart, $3  }
0xc0: {  	[dreg:$0x1] =	wrdreg $0xFFFFFFFF  }
0xc1: {  	_ =	task.clear_ibuf [dreg:s7], $0x2FFFF;
	_ =	strace $0x9FFFFFFF  }
0xc2: {  	(tm) =	ssettm $0x7FFFFFFF  }
0xc3: {  	_ =	shalt  }
tec
execute0_lowered:
.L_overlay_start_1:
0x0: {  	(tag) =	ssettag $0x1  }
0x1: {  	s0 =	rddreg [dreg:$0x0]  }
0x2: {  	s1 =	srdreg.scid;
	s10 =	stileid.u32  }
0x3: {  	s4 =	rddreg [dreg:$0x1];
	s2 =	simm.s32 $0x0;
	s28 =	simm.s32 $0x12C00  }
0x4: {  	s29 =	simm.s32 $0x4;
	s31 =	simm.s32 $0x15E00;
	s30 =	simm.s32 $0x1C200  }
0x5: {  	s11 =	simm.s32 $0xF;
	s12 =	simm.s32 $0x10;
	s13 =	simm.s32 $0x0  }
0x6: {  	s1 =	sand.u32 $0x1, s1;
	s3 =	sshll.u32 s10, $0x1;
	s21 =	smul.u32 $0x64000, s10  }
0x7: {  	s5 =	sor.u32 s1, s3;
	s6 =	ssub.s32 $0x2, s1;
	s1 =	smul.u32 $0x32000, s1  }
0x8: {  	[smem:$0x7FF] =	sst s2;
	s10 =	simm.s32 $0xE;
	s3 =	smul.u32 $0xC80, s5  }
0x9: {  	_ =	strace $0x80000047;
	s7 =	sshrl.u32 s6, $0x1;
	s8 =	smul.u32 $0x32000, s5  }
0xa: {  	s5 =	smul.u32 $0x190000, s5;
	s16 =	ssub.s32 s6, s7;
	s6 =	simm.s32 $0xA  }
0xb: {  	s7 =	simm.s32 $0xB;
	s9 =	sadd.s32 s3, s0;
	s18 =	sadd.s32 s4, s8  }
0xc: {  	s3 =	sadd.s32 $0xF42E00, s0;
	s0 =	smax.u32 s16, $0x1;
	[dreg:$0x4] =	wrdreg s18  }
0xd: {  	s5 =	sshrl.u32 s5, $0x3;
	s17 =	sadd.s32 $0xA00, s9;
	[dreg:$0xc] =	wrdreg s0  }
0xe: {  	s16 =	simm.s32 $0xC8;
	s19 =	sadd.s32 $0x640, s18;
	[dreg:$0x3] =	wrdreg s17  }
0xf: {  	s20 =	sadd.s32 $0xC80, s18;
	s8 =	sadd.s32 $0x12C0, s18;
	[dreg:$0x5] =	wrdreg s19  }
0x10: {  	s22 =	sadd.s32 $0x1900, s18;
	s5 =	sadd.s32 s4, s5;
	[dreg:$0x6] =	wrdreg s20  }
0x11: {  	s4 =	sadd.s32 s21, s4;
	s23 =	sadd.s32 $0x1F40, s18;
	[dreg:$0x7] =	wrdreg s8  }
0x12: {  	s18 =	simm.s32 $0x9600;
	s21 =	simm.s32 $0xC800;
	[dreg:$0x8] =	wrdreg s22  }
0x13: {  	s0 =	simm.s32 $0x7;
	s9 =	simm.s32 $0xD;
	[dreg:$0x9] =	wrdreg s23  }
0x14: {  	s24 =	sadd.s32 $0x2580, s5;
	s1 =	sadd.s32 s1, s4;
	s25 =	sadd.s32 $0x319C0, s5  }
0x15: {  	s17 =	simm.s32 $0x6400;
	s19 =	simm.s32 $0x1;
	s22 =	simm.s32 $0x2  }
0x16: {  	s20 =	simm.s32 $0x19000;
	s23 =	simm.s32 $0x6;
	[dreg:$0xa] =	wrdreg s24  }
0x17: {  	s4 =	simm.s32 $0x8;
	s8 =	simm.s32 $0xC;
	[dreg:$0xb] =	wrdreg s25  }
0x18: {  	s26 =	sadd.s32 $0x2BC0, s1;
	s24 =	simm.s32 $0xFA00;
	s25 =	simm.s32 $0x3  }
0x19: {  	s1 =	simm.s32 $0x5;
	[dreg:$0xd] =	wrdreg s26;
	s26 =	simm.s32 $0x9  }
.LBB2_1:
0x1a: {  	[dreg:$0xe] =	wrdreg s13  }
0x1b: {  	s5 =	rddreg [dreg:$0x3];
	s15 =	simm.s32 $0x11  }
0x1c: {  	[tilespmem:s2], [sflag:$0x11] =	stream.linear.gather [hbm4b:s5+s2], $0x6400, $0x38;
	[tilespmem:$0x1F400] =	vst v63  }
0x1d: {  	_ =	swait.ge [sflag:s15], $0x6400  }
0x1e: {  	[sflag:s15] =	ssyncset.done $0x0  }
0x1f: {  	s5 =	simm.s32 $0x40;
	[sflag:s15] =	ssyncadd.s32 $0xFFFF9C00  }
0x20: {  	v0 =	vld [tilespmem:s5+$0xFFFFFFC0]  }
0x21: {  	v5 =	vld [tilespmem:s5+$0xFFFFFFD0]  }
0x22: {  	v4 =	vld [tilespmem:s5+$0xFFFFFFE0]  }
0x23: {  	v3 =	vld [tilespmem:s5+$0x0]  }
0x24: {  	v1 =	vld [tilespmem:s5+$0x10]  }
0x25: {  	v2 =	vld [tilespmem:s5+$0x20];
	vm0 =	vgt.s32 v0, $0x0  }
0x26: {  	v6 =	vnsel vm0, $0x0, v0;
	vm0 =	vgt.s32 v5, $0x0;
	v0 =	vld [tilespmem:s5+$0x30]  }
0x27: {  	s13 =	simm.s32 $0x0;
	s15 =	simm.s32 $0xC0;
	[tilespmem:s5+$0xFFFFFFC0] =	vst v6;
	v6 =	vnsel vm0, $0x0, v5;
	vm0 =	vgt.s32 v4, $0x0;
	v5 =	vld [tilespmem:s5+$0xFFFFFFF0]  }
.LBB2_2:
0x28: {  	v7 =	vld [tilespmem:s15+$0xFFFFFFC0];
	[tilespmem:s5+$0xFFFFFFD0] =	vst v6;
	v4 =	vnsel vm0, $0x0, v4;
	vm0 =	vgt.s32 v3, $0x0  }
0x29: {  	s13 =	sadd.s32 $0x8, s13;
	v6 =	vld [tilespmem:s15+$0xFFFFFFD0];
	[tilespmem:s5+$0xFFFFFFE0] =	vst v4;
	v3 =	vnsel vm0, $0x0, v3;
	vm0 =	vgt.s32 v1, $0x0  }
0x2a: {  	p0 =	slt.u32 s13, $0x638;
	v4 =	vld [tilespmem:s15+$0xFFFFFFE0];
	[tilespmem:s5+$0x0] =	vst v3;
	v1 =	vnsel vm0, $0x0, v1;
	vm0 =	vgt.s32 v2, $0x0  }
.Ltmp0:
0x2b: {  	v3 =	vld [tilespmem:s15+$0x0];
	[tilespmem:s5+$0x10] =	vst v1;
	v2 =	vnsel vm0, $0x0, v2;
	vm0 =	vgt.s32 v0, $0x0;
	(pc) =	sbr.rel @p0 .LBB2_2-.Ltmp0, $4  }
0x2c: {  	v1 =	vld [tilespmem:s15+$0x10];
	vm1 =	vgt.s32 v5, $0x0;
	[tilespmem:s5+$0x20] =	vst v2;
	v0 =	vnsel vm0, $0x0, v0  }
0x2d: {  	vm0 =	vgt.s32 v7, $0x0;
	v2 =	vld [tilespmem:s15+$0x20];
	v5 =	vnsel vm1, $0x0, v5;
	[tilespmem:s5+$0x30] =	vst v0  }
0x2e: {  	v7 =	vnsel vm0, $0x0, v7;
	vm0 =	vgt.s32 v6, $0x0;
	v0 =	vld [tilespmem:s15+$0x30];
	[tilespmem:s5+$0xFFFFFFF0] =	vst v5;
	s5 =	smov.u32 s15  }
0x2f: {  	s15 =	sadd.s32 $0x80, s15;
	[tilespmem:s5+$0xFFFFFFC0] =	vst v7;
	v6 =	vnsel vm0, $0x0, v6;
	vm0 =	vgt.s32 v4, $0x0;
	v5 =	vld [tilespmem:s5+$0xFFFFFFF0]  }
0x30: {  	[tilespmem:s5+$0xFFFFFFD0] =	vst v6;
	v4 =	vnsel vm0, $0x0, v4;
	vm12 =	vgt.s32 v3, $0x0  }
0x31: {  	[tilespmem:s5+$0xFFFFFFE0] =	vst v4;
	v3 =	vnsel vm12, $0x0, v3;
	vm13 =	vgt.s32 v1, $0x0  }
0x32: {  	[tilespmem:s5+$0x0] =	vst v3;
	v1 =	vnsel vm13, $0x0, v1;
	vm14 =	vgt.s32 v2, $0x0  }
0x33: {  	[tilespmem:s5+$0x10] =	vst v1;
	v62 =	vnsel vm14, $0x0, v2;
	vm15 =	vgt.s32 v0, $0x0  }
0x34: {  	vm1 =	vgt.s32 v5, $0x0;
	[tilespmem:s5+$0x20] =	vst v62;
	v0 =	vnsel vm15, $0x0, v0  }
0x35: {  	v63 =	vnsel vm1, $0x0, v5;
	[tilespmem:s5+$0x30] =	vst v0  }
0x36: {  	[tilespmem:s5+$0xFFFFFFF0] =	vst v63;
	s5 =	simm.s32 $0x0  }
0x37: {  	[tilespmem:s17], [sflag:$0x1] =	stream.indirect.gather [hbm4b:s3+s16], $0x40, s5, s16, $0xb8;
	[tilespmem:$0x1F400] =	vst v63  }
0x38: {  	_ = 	snop  }
0x39: {  	[tilespmem:s18], [sflag:$0x2] =	stream.indirect.gather [hbm4b:s3+s16], $0x40, s16, s16, $0xb8;
	[tilespmem:$0x1F400] =	vst v63  }
0x3a: {  	_ =	swait.ge [sflag:s19], $0x3200  }
0x3b: {  	[sflag:s19] =	ssyncset.done $0x0  }
0x3c: {  	s13 =	rddreg [dreg:$0x4];
	[sflag:s19] =	ssyncadd.s32 $0xFFFFCE00  }
0x3d: {  	[hbm4b:s13+s5] =	stream.linear.scatter [tilespmem:s17], [sflag:$0x9], $0x3200, $0x38;
	[tilespmem:$0x1F400] =	vst v63  }
0x3e: {  	s14 =	simm.s32 $0x190  }
0x3f: {  	[tilespmem:s21], [sflag:$0x3] =	stream.indirect.gather [hbm4b:s3+s16], $0x40, s14, s16, $0xb8;
	[tilespmem:$0x1F400] =	vst v63  }
0x40: {  	_ =	swait.ge [sflag:s22], $0x3200  }
0x41: {  	[sflag:s22] =	ssyncset.done $0x0  }
0x42: {  	s15 =	rddreg [dreg:$0x5];
	[sflag:s22] =	ssyncadd.s32 $0xFFFFCE00  }
0x43: {  	[hbm4b:s15+s5] =	stream.linear.scatter [tilespmem:s18], [sflag:$0xA], $0x3200, $0x38;
	[tilespmem:$0x1F400] =	vst v63  }
0x44: {  	s14 =	simm.s32 $0x258  }
0x45: {  	[tilespmem:s24], [sflag:$0x4] =	stream.indirect.gather [hbm4b:s3+s16], $0x40, s14, s16, $0xb8;
	[tilespmem:$0x1F400] =	vst v63  }
0x46: {  	_ =	swait.ge [sflag:s25], $0x3200  }
0x47: {  	[sflag:s25] =	ssyncset.done $0x0  }
0x48: {  	s15 =	rddreg [dreg:$0x6];
	[sflag:s25] =	ssyncadd.s32 $0xFFFFCE00  }
0x49: {  	[hbm4b:s15+s5] =	stream.linear.scatter [tilespmem:s21], [sflag:$0xB], $0x3200, $0x38;
	[tilespmem:$0x1F400] =	vst v63  }
0x4a: {  	s14 =	simm.s32 $0x320  }
0x4b: {  	[tilespmem:s28], [sflag:$0x5] =	stream.indirect.gather [hbm4b:s3+s16], $0x40, s14, s16, $0xb8;
	[tilespmem:$0x1F400] =	vst v63  }
0x4c: {  	_ =	swait.ge [sflag:s29], $0x3200  }
0x4d: {  	[sflag:s29] =	ssyncset.done $0x0  }
0x4e: {  	s15 =	rddreg [dreg:$0x7];
	[sflag:s29] =	ssyncadd.s32 $0xFFFFCE00  }
0x4f: {  	[hbm4b:s15+s5] =	stream.linear.scatter [tilespmem:s24], [sflag:$0xC], $0x3200, $0x38;
	[tilespmem:$0x1F400] =	vst v63  }
0x50: {  	s14 =	simm.s32 $0x3E8  }
0x51: {  	[tilespmem:s31], [sflag:$0x6] =	stream.indirect.gather [hbm4b:s3+s16], $0x40, s14, s16, $0xb8;
	[tilespmem:$0x1F400] =	vst v63  }
0x52: {  	_ =	swait.ge [sflag:s1], $0x3200  }
0x53: {  	[sflag:s1] =	ssyncset.done $0x0  }
0x54: {  	s15 =	rddreg [dreg:$0x8];
	[sflag:s1] =	ssyncadd.s32 $0xFFFFCE00  }
0x55: {  	[hbm4b:s15+s5] =	stream.linear.scatter [tilespmem:s28], [sflag:$0xD], $0x3200, $0x38;
	[tilespmem:$0x1F400] =	vst v63  }
0x56: {  	s14 =	simm.s32 $0x4B0  }
0x57: {  	[tilespmem:s20], [sflag:$0x7] =	stream.indirect.gather [hbm4b:s3+s16], $0x40, s14, s16, $0xb8;
	[tilespmem:$0x1F400] =	vst v63  }
0x58: {  	_ =	swait.ge [sflag:s23], $0x3200  }
0x59: {  	[sflag:s23] =	ssyncset.done $0x0  }
0x5a: {  	s15 =	rddreg [dreg:$0x9];
	[sflag:s23] =	ssyncadd.s32 $0xFFFFCE00  }
0x5b: {  	[hbm4b:s15+s5] =	stream.linear.scatter [tilespmem:s31], [sflag:$0xE], $0x3200, $0x38;
	[tilespmem:$0x1F400] =	vst v63  }
0x5c: {  	s14 =	simm.s32 $0x578  }
0x5d: {  	[tilespmem:s30], [sflag:$0x8] =	stream.indirect.gather [hbm4b:s3+s16], $0x40, s14, s16, $0xb8;
	[tilespmem:$0x1F400] =	vst v63  }
0x5e: {  	_ =	swait.ge [sflag:s0], $0x3200  }
0x5f: {  	[sflag:s0] =	ssyncset.done $0x0  }
0x60: {  	s15 =	rddreg [dreg:$0xa];
	[sflag:s0] =	ssyncadd.s32 $0xFFFFCE00  }
0x61: {  	[hbm4b:s15+s5] =	stream.linear.scatter [tilespmem:s20], [sflag:$0xF], $0x3200, $0x38;
	[tilespmem:$0x1F400] =	vst v63  }
0x62: {  	_ =	swait.ge [sflag:s26], $0x3200  }
0x63: {  	[sflag:s26] =	ssyncset.done $0x0  }
0x64: {  	s14 =	simm.s32 $0x640;
	[sflag:s26] =	ssyncadd.s32 $0xFFFFCE00  }
0x65: {  	[tilespmem:s17], [sflag:$0x1] =	stream.indirect.gather [hbm4b:s3+s16], $0x40, s14, s16, $0xb8;
	[tilespmem:$0x1F400] =	vst v63  }
0x66: {  	_ =	swait.ge [sflag:s4], $0x3200  }
0x67: {  	[sflag:s4] =	ssyncset.done $0x0  }
0x68: {  	s14 =	rddreg [dreg:$0xd];
	[sflag:s4] =	ssyncadd.s32 $0xFFFFCE00  }
0x69: {  	[hbm4b:s14+s2] =	stream.linear.scatter [tilespmem:s30], [sflag:$0x10], $0x3200, $0x38;
	[tilespmem:$0x1F400] =	vst v63  }
0x6a: {  	_ =	swait.ge [sflag:s6], $0x3200  }
0x6b: {  	[sflag:s6] =	ssyncset.done $0x0  }
0x6c: {  	s15 =	simm.s32 $0x708;
	[sflag:s6] =	ssyncadd.s32 $0xFFFFCE00  }
0x6d: {  	[tilespmem:s18], [sflag:$0x2] =	stream.indirect.gather [hbm4b:s3+s16], $0x40, s15, s16, $0xb8;
	[tilespmem:$0x1F400] =	vst v63  }
0x6e: {  	_ =	swait.ge [sflag:s19], $0x3200  }
0x6f: {  	[sflag:s19] =	ssyncset.done $0x0  }
0x70: {  	s13 =	sadd.s32 $0x640, s14;
	[sflag:s19] =	ssyncadd.s32 $0xFFFFCE00  }
0x71: {  	[hbm4b:s13+s2] =	stream.linear.scatter [tilespmem:s17], [sflag:$0x9], $0x3200, $0x38;
	[tilespmem:$0x1F400] =	vst v63  }
0x72: {  	_ =	swait.ge [sflag:s7], $0x3200  }
0x73: {  	[sflag:s7] =	ssyncset.done $0x0  }
0x74: {  	s15 =	simm.s32 $0x7D0;
	[sflag:s7] =	ssyncadd.s32 $0xFFFFCE00  }
0x75: {  	[tilespmem:s21], [sflag:$0x3] =	stream.indirect.gather [hbm4b:s3+s16], $0x40, s15, s16, $0xb8;
	[tilespmem:$0x1F400] =	vst v63  }
0x76: {  	_ =	swait.ge [sflag:s22], $0x3200  }
0x77: {  	[sflag:s22] =	ssyncset.done $0x0  }
0x78: {  	s13 =	sadd.s32 $0xC80, s14;
	[sflag:s22] =	ssyncadd.s32 $0xFFFFCE00  }
0x79: {  	[hbm4b:s13+s2] =	stream.linear.scatter [tilespmem:s18], [sflag:$0xA], $0x3200, $0x38;
	[tilespmem:$0x1F400] =	vst v63  }
0x7a: {  	_ =	swait.ge [sflag:s8], $0x3200  }
0x7b: {  	[sflag:s8] =	ssyncset.done $0x0  }
0x7c: {  	s15 =	simm.s32 $0x898;
	[sflag:s8] =	ssyncadd.s32 $0xFFFFCE00  }
0x7d: {  	[tilespmem:s24], [sflag:$0x4] =	stream.indirect.gather [hbm4b:s3+s16], $0x40, s15, s16, $0xb8;
	[tilespmem:$0x1F400] =	vst v63  }
0x7e: {  	_ =	swait.ge [sflag:s25], $0x3200  }
0x7f: {  	[sflag:s25] =	ssyncset.done $0x0  }
0x80: {  	s13 =	sadd.s32 $0x12C0, s14;
	[sflag:s25] =	ssyncadd.s32 $0xFFFFCE00  }
0x81: {  	[hbm4b:s13+s2] =	stream.linear.scatter [tilespmem:s21], [sflag:$0xB], $0x3200, $0x38;
	[tilespmem:$0x1F400] =	vst v63  }
0x82: {  	_ =	swait.ge [sflag:s9], $0x3200  }
0x83: {  	[sflag:s9] =	ssyncset.done $0x0  }
0x84: {  	s15 =	simm.s32 $0x960;
	[sflag:s9] =	ssyncadd.s32 $0xFFFFCE00  }
0x85: {  	[tilespmem:s28], [sflag:$0x5] =	stream.indirect.gather [hbm4b:s3+s16], $0x40, s15, s16, $0xb8;
	[tilespmem:$0x1F400] =	vst v63  }
0x86: {  	_ =	swait.ge [sflag:s29], $0x3200  }
0x87: {  	[sflag:s29] =	ssyncset.done $0x0  }
0x88: {  	s13 =	sadd.s32 $0x1900, s14;
	[sflag:s29] =	ssyncadd.s32 $0xFFFFCE00  }
0x89: {  	[hbm4b:s13+s2] =	stream.linear.scatter [tilespmem:s24], [sflag:$0xC], $0x3200, $0x38;
	[tilespmem:$0x1F400] =	vst v63  }
0x8a: {  	_ =	swait.ge [sflag:s10], $0x3200  }
0x8b: {  	[sflag:s10] =	ssyncset.done $0x0  }
0x8c: {  	s15 =	simm.s32 $0xA28;
	[sflag:s10] =	ssyncadd.s32 $0xFFFFCE00  }
0x8d: {  	[tilespmem:s31], [sflag:$0x6] =	stream.indirect.gather [hbm4b:s3+s16], $0x40, s15, s16, $0xb8;
	[tilespmem:$0x1F400] =	vst v63  }
0x8e: {  	_ =	swait.ge [sflag:s1], $0x3200  }
0x8f: {  	[sflag:s1] =	ssyncset.done $0x0  }
0x90: {  	s13 =	sadd.s32 $0x1F40, s14;
	[sflag:s1] =	ssyncadd.s32 $0xFFFFCE00  }
0x91: {  	[hbm4b:s13+s2] =	stream.linear.scatter [tilespmem:s28], [sflag:$0xD], $0x3200, $0x38;
	[tilespmem:$0x1F400] =	vst v63  }
0x92: {  	_ =	swait.ge [sflag:s11], $0x3200  }
0x93: {  	[sflag:s11] =	ssyncset.done $0x0  }
0x94: {  	s15 =	simm.s32 $0xAF0;
	[sflag:s11] =	ssyncadd.s32 $0xFFFFCE00  }
0x95: {  	[tilespmem:s20], [sflag:$0x7] =	stream.indirect.gather [hbm4b:s3+s16], $0x40, s15, s16, $0xb8;
	[tilespmem:$0x1F400] =	vst v63  }
0x96: {  	_ =	swait.ge [sflag:s23], $0x3200  }
0x97: {  	[sflag:s23] =	ssyncset.done $0x0  }
0x98: {  	s13 =	sadd.s32 $0x2580, s14;
	[sflag:s23] =	ssyncadd.s32 $0xFFFFCE00  }
0x99: {  	[hbm4b:s13+s2] =	stream.linear.scatter [tilespmem:s31], [sflag:$0xE], $0x3200, $0x38;
	[tilespmem:$0x1F400] =	vst v63  }
0x9a: {  	_ =	swait.ge [sflag:s12], $0x3200  }
0x9b: {  	[sflag:s12] =	ssyncset.done $0x0  }
0x9c: {  	s15 =	simm.s32 $0xBB8;
	[sflag:s12] =	ssyncadd.s32 $0xFFFFCE00  }
0x9d: {  	[tilespmem:s30], [sflag:$0x8] =	stream.indirect.gather [hbm4b:s3+s16], $0x40, s15, s16, $0xb8;
	[tilespmem:$0x1F400] =	vst v63  }
0x9e: {  	_ =	swait.ge [sflag:s0], $0x3200  }
0x9f: {  	s5 =	simm.s32 $0x1900;
	[sflag:s0] =	ssyncset.done $0x0  }
0xa0: {  	s13 =	sadd.s32 $0x2BC0, s14;
	s15 =	sadd.s32 $0x3200, s14;
	[sflag:s0] =	ssyncadd.s32 $0xFFFFCE00  }
.LBB2_4:
0xa1: {  	[hbm4b:s13+s2] =	stream.linear.scatter [tilespmem:s20], [sflag:$0xF], $0x3200, $0x38;
	[tilespmem:$0x1F400] =	vst v63  }
0xa2: {  	s13 =	smov.u32 s5  }
0xa3: {  	p0 =	sne.s32 s5, $0x15E00;
	s5 =	sadd.s32 $0x1900, s5;
	_ =	swait.ge [sflag:s26], $0x3200  }
0xa4: {  	s13 =	sshra.s32 s13, $0x2;
	[sflag:s26] =	ssyncset.done $0x0  }
0xa5: {  	s14 =	sadd.s32 $0x640, s13;
	[sflag:s26] =	ssyncadd.s32 $0xFFFFCE00  }
0xa6: {  	[tilespmem:s17], [sflag:$0x1] =	stream.indirect.gather [hbm4b:s3+s16], $0x40, s14, s16, $0xb8;
	[tilespmem:$0x1F400] =	vst v63  }
0xa7: {  	_ =	swait.ge [sflag:s4], $0x3200  }
0xa8: {  	[sflag:s4] =	ssyncset.done $0x0  }
0xa9: {  	[sflag:s4] =	ssyncadd.s32 $0xFFFFCE00  }
0xaa: {  	[hbm4b:s15+s2] =	stream.linear.scatter [tilespmem:s30], [sflag:$0x10], $0x3200, $0x38;
	[tilespmem:$0x1F400] =	vst v63  }
0xab: {  	_ =	swait.ge [sflag:s6], $0x3200  }
0xac: {  	[sflag:s6] =	ssyncset.done $0x0  }
0xad: {  	s14 =	sadd.s32 $0x708, s13;
	[sflag:s6] =	ssyncadd.s32 $0xFFFFCE00  }
0xae: {  	[tilespmem:s18], [sflag:$0x2] =	stream.indirect.gather [hbm4b:s3+s16], $0x40, s14, s16, $0xb8;
	[tilespmem:$0x1F400] =	vst v63  }
0xaf: {  	_ =	swait.ge [sflag:s19], $0x3200  }
0xb0: {  	[sflag:s19] =	ssyncset.done $0x0  }
0xb1: {  	s14 =	sadd.s32 $0x640, s15;
	[sflag:s19] =	ssyncadd.s32 $0xFFFFCE00  }
0xb2: {  	[hbm4b:s14+s2] =	stream.linear.scatter [tilespmem:s17], [sflag:$0x9], $0x3200, $0x38;
	[tilespmem:$0x1F400] =	vst v63  }
0xb3: {  	_ =	swait.ge [sflag:s7], $0x3200  }
0xb4: {  	[sflag:s7] =	ssyncset.done $0x0  }
0xb5: {  	s14 =	sadd.s32 $0x7D0, s13;
	[sflag:s7] =	ssyncadd.s32 $0xFFFFCE00  }
0xb6: {  	[tilespmem:s21], [sflag:$0x3] =	stream.indirect.gather [hbm4b:s3+s16], $0x40, s14, s16, $0xb8;
	[tilespmem:$0x1F400] =	vst v63  }
0xb7: {  	_ =	swait.ge [sflag:s22], $0x3200  }
0xb8: {  	[sflag:s22] =	ssyncset.done $0x0  }
0xb9: {  	s14 =	sadd.s32 $0xC80, s15;
	[sflag:s22] =	ssyncadd.s32 $0xFFFFCE00  }
0xba: {  	[hbm4b:s14+s2] =	stream.linear.scatter [tilespmem:s18], [sflag:$0xA], $0x3200, $0x38;
	[tilespmem:$0x1F400] =	vst v63  }
0xbb: {  	_ =	swait.ge [sflag:s8], $0x3200  }
0xbc: {  	[sflag:s8] =	ssyncset.done $0x0  }
0xbd: {  	s14 =	sadd.s32 $0x898, s13;
	[sflag:s8] =	ssyncadd.s32 $0xFFFFCE00  }
0xbe: {  	[tilespmem:s24], [sflag:$0x4] =	stream.indirect.gather [hbm4b:s3+s16], $0x40, s14, s16, $0xb8;
	[tilespmem:$0x1F400] =	vst v63  }
0xbf: {  	_ =	swait.ge [sflag:s25], $0x3200  }
0xc0: {  	[sflag:s25] =	ssyncset.done $0x0  }
0xc1: {  	s14 =	sadd.s32 $0x12C0, s15;
	[sflag:s25] =	ssyncadd.s32 $0xFFFFCE00  }
0xc2: {  	[hbm4b:s14+s2] =	stream.linear.scatter [tilespmem:s21], [sflag:$0xB], $0x3200, $0x38;
	[tilespmem:$0x1F400] =	vst v63  }
0xc3: {  	_ =	swait.ge [sflag:s9], $0x3200  }
0xc4: {  	[sflag:s9] =	ssyncset.done $0x0  }
0xc5: {  	s14 =	sadd.s32 $0x960, s13;
	[sflag:s9] =	ssyncadd.s32 $0xFFFFCE00  }
0xc6: {  	[tilespmem:s28], [sflag:$0x5] =	stream.indirect.gather [hbm4b:s3+s16], $0x40, s14, s16, $0xb8;
	[tilespmem:$0x1F400] =	vst v63  }
0xc7: {  	_ =	swait.ge [sflag:s29], $0x3200  }
0xc8: {  	[sflag:s29] =	ssyncset.done $0x0  }
0xc9: {  	s14 =	sadd.s32 $0x1900, s15;
	[sflag:s29] =	ssyncadd.s32 $0xFFFFCE00  }
0xca: {  	[hbm4b:s14+s2] =	stream.linear.scatter [tilespmem:s24], [sflag:$0xC], $0x3200, $0x38;
	[tilespmem:$0x1F400] =	vst v63  }
0xcb: {  	_ =	swait.ge [sflag:s10], $0x3200  }
0xcc: {  	[sflag:s10] =	ssyncset.done $0x0  }
0xcd: {  	s14 =	sadd.s32 $0xA28, s13;
	[sflag:s10] =	ssyncadd.s32 $0xFFFFCE00  }
0xce: {  	[tilespmem:s31], [sflag:$0x6] =	stream.indirect.gather [hbm4b:s3+s16], $0x40, s14, s16, $0xb8;
	[tilespmem:$0x1F400] =	vst v63  }
0xcf: {  	_ =	swait.ge [sflag:s1], $0x3200  }
0xd0: {  	[sflag:s1] =	ssyncset.done $0x0  }
0xd1: {  	s14 =	sadd.s32 $0x1F40, s15;
	[sflag:s1] =	ssyncadd.s32 $0xFFFFCE00  }
0xd2: {  	[hbm4b:s14+s2] =	stream.linear.scatter [tilespmem:s28], [sflag:$0xD], $0x3200, $0x38;
	[tilespmem:$0x1F400] =	vst v63  }
0xd3: {  	_ =	swait.ge [sflag:s11], $0x3200  }
0xd4: {  	[sflag:s11] =	ssyncset.done $0x0  }
0xd5: {  	s14 =	sadd.s32 $0xAF0, s13;
	[sflag:s11] =	ssyncadd.s32 $0xFFFFCE00  }
0xd6: {  	[tilespmem:s20], [sflag:$0x7] =	stream.indirect.gather [hbm4b:s3+s16], $0x40, s14, s16, $0xb8;
	[tilespmem:$0x1F400] =	vst v63  }
0xd7: {  	_ =	swait.ge [sflag:s23], $0x3200  }
0xd8: {  	[sflag:s23] =	ssyncset.done $0x0  }
0xd9: {  	s14 =	sadd.s32 $0x2580, s15;
	[sflag:s23] =	ssyncadd.s32 $0xFFFFCE00  }
0xda: {  	[hbm4b:s14+s2] =	stream.linear.scatter [tilespmem:s31], [sflag:$0xE], $0x3200, $0x38;
	[tilespmem:$0x1F400] =	vst v63  }
0xdb: {  	_ =	swait.ge [sflag:s12], $0x3200  }
0xdc: {  	[sflag:s12] =	ssyncset.done $0x0  }
.Ltmp1:
0xdd: {  	s13 =	sadd.s32 $0xBB8, s13;
	[sflag:s12] =	ssyncadd.s32 $0xFFFFCE00;
	(pc) =	sbr.rel @p0 .LBB2_4-.Ltmp1, $4  }
0xde: {  	[tilespmem:s30], [sflag:$0x8] =	stream.indirect.gather [hbm4b:s3+s16], $0x40, s13, s16, $0xb8;
	[tilespmem:$0x1F400] =	vst v63  }
0xdf: {  	_ =	swait.ge [sflag:s0], $0x3200  }
0xe0: {  	[sflag:s0] =	ssyncset.done $0x0  }
0xe1: {  	s13 =	sadd.s32 $0x2BC0, s15;
	s15 =	sadd.s32 $0x3200, s15;
	[sflag:s0] =	ssyncadd.s32 $0xFFFFCE00  }
0xe2: {  	[hbm4b:s13+s2] =	stream.linear.scatter [tilespmem:s20], [sflag:$0xF], $0x3200, $0x38;
	[tilespmem:$0x1F400] =	vst v63  }
0xe3: {  	_ =	swait.ge [sflag:s4], $0x3200  }
0xe4: {  	[sflag:s4] =	ssyncset.done $0x0  }
0xe5: {  	s5 =	rddreg [dreg:$0xb];
	[sflag:s4] =	ssyncadd.s32 $0xFFFFCE00  }
0xe6: {  	[hbm4b:s5+s2] =	stream.linear.scatter [tilespmem:s30], [sflag:$0x10], $0x3200, $0x38;
	[tilespmem:$0x1F400] =	vst v63  }
0xe7: {  	_ =	swait.ge [sflag:s26], $0x3200  }
0xe8: {  	[sflag:s26] =	ssyncset.done $0x0  }
0xe9: {  	[sflag:s26] =	ssyncadd.s32 $0xFFFFCE00  }
0xea: {  	_ =	swait.ge [sflag:s6], $0x3200  }
0xeb: {  	[sflag:s6] =	ssyncset.done $0x0  }
0xec: {  	[sflag:s6] =	ssyncadd.s32 $0xFFFFCE00  }
0xed: {  	_ =	swait.ge [sflag:s7], $0x3200  }
0xee: {  	[sflag:s7] =	ssyncset.done $0x0  }
0xef: {  	[sflag:s7] =	ssyncadd.s32 $0xFFFFCE00  }
0xf0: {  	_ =	swait.ge [sflag:s8], $0x3200  }
0xf1: {  	[sflag:s8] =	ssyncset.done $0x0  }
0xf2: {  	[sflag:s8] =	ssyncadd.s32 $0xFFFFCE00  }
0xf3: {  	_ =	swait.ge [sflag:s9], $0x3200  }
0xf4: {  	[sflag:s9] =	ssyncset.done $0x0  }
0xf5: {  	[sflag:s9] =	ssyncadd.s32 $0xFFFFCE00  }
0xf6: {  	_ =	swait.ge [sflag:s10], $0x3200  }
0xf7: {  	[sflag:s10] =	ssyncset.done $0x0  }
0xf8: {  	[sflag:s10] =	ssyncadd.s32 $0xFFFFCE00  }
0xf9: {  	_ =	swait.ge [sflag:s11], $0x3200  }
0xfa: {  	[sflag:s11] =	ssyncset.done $0x0  }
0xfb: {  	[sflag:s11] =	ssyncadd.s32 $0xFFFFCE00  }
0xfc: {  	_ =	swait.ge [sflag:s12], $0x3200  }
0xfd: {  	s14 =	rddreg [dreg:$0xe]  }
0xfe: {  	s15 =	rddreg [dreg:$0xc];
	s13 =	sadd.s32 $0x1, s14  }
0xff: {  	p0 =	sne.s32 s13, s15  }
.Ltmp2:
0x100: {  	_ = 	snop;
	(pc) =	sbr.rel @p0 .LBB2_1-.Ltmp2, $3  }
0x101: {  	_ =	sdelay $0x1  }
0x102: {  	[sflag:s12] =	ssyncset.done $0x0  }
0x103: {  	[sflag:s12] =	ssyncadd.s32 $0xFFFFCE00  }
0x104: {  	_ =	sfence.sel $0x180000  }
0x105: {  	[bflag:$0x0] =	sbarrier.arrive $0xFFFF  }
0x106: {  	_ =	strace $0x90000047  }
0x107: {  	s0 =	stileid.u32;
	[bflag:$0x2] =	sbarrier.arrive $0xFFFF  }
0x108: {  	p0 =	sne.s32 s0, $0x0;
	s0 =	rddreg [dreg:$0x2]  }
0x109: {  	s0 =	sadd.s32 @!p0 $0x100000, s0  }
0x10a: {  	[sflag:s0] =	ssyncadd.tile.s32 @!p0 $0x1;
	_ =	shalt  }
.Lfunc_end2:
_tile_overlayer_lowered:
.L_overlay_start_2:
0x10b: {  	(tag) =	ssettag $0x2  }
0x10c: {  	s0 =	rddreg [dreg:$0x0];
	s2 =	stileid.u32  }
0x10d: {  	s1 =	rddreg [dreg:$0x1];
	p0 =	sne.s32 s2, $0x0  }
0x10e: {  	s3 =	rddreg [dreg:$0x2];
	[bflag:$0x3] =	sbarrier.arrive $0xFFFF;
	s2 =	simm.s32 @!p0 $0x1C11  }
0x10f: {  	[timem:s3], [sflag:s2] =	dma.local @!p0 [hbm:s0], s1  }
0x110: {  	s0 =	simm.s32 @!p0 $0x11  }
0x111: {  	_ =	swait.ge @!p0 [sflag:s0], s1  }
0x112: {  	s1 =	ssub.s32 @!p0 $0x0, s1;
	[sflag:s0] =	ssyncset.done @!p0 $0x0  }
0x113: {  	[sflag:s0] =	ssyncadd.s32 @!p0 s1  }
0x114: {  	[bflag:$0x3] =	sbarrier.arrive $0xFFFF  }
0x115: {  	_ =	shalt  }

// kernel: sparse-core-data-format-call.cloned.1.call-start
scs
called_computation_lowered:
.L_overlay_start_0:
0x0: {  	s2 =	sld [smem:$0x3FD9]  }
0x1: {  	s3 =	sld [smem:$0x3FFE];
	_ =	sdelay $0x1  }
0x2: {  	s1 =	srdreg.scid  }
0x3: {  	s0 =	sand.u32 $0x1, s1  }
0x4: {  	s18 =	sshll.u32 s0, $0xA;
	s2 =	sadd.s32 s3, s2  }
0x5: {  	s2 =	sadd.s32 s2, s18  }
0x6: {  	[smem:$0x3FC6] =	sst s2  }
0x7: {  	_ = 	snop  }
0x8: {  	s2 =	sld [smem:$0x3FD0];
	(tm) =	ssettm $0x1  }
0x9: {  	s19 =	sld [smem:$0x3FFB];
	_ =	sdelay $0x3  }
0xa: {  	_ =	strace s19  }
0xb: {  	s3 =	sld [smem:$0x3FFC];
	_ =	sdelay $0x3  }
0xc: {  	_ =	strace s3  }
0xd: {  	s3 =	sld [smem:$0x3FFD];
	_ =	sdelay $0x3  }
0xe: {  	_ =	strace s3  }
0xf: {  	_ =	strace $0x8FFFFFFF  }
0x10: {  	s20 =	sld [smem:$0x3FDB];
	_ =	sdelay $0x1  }
0x11: {  	s4 =	simm.s32 $_scs_section_size  }
0x12: {  	s5 =	simm.s32 $_size__tile_overlayer_lowered;
	s6 =	simm.s32 $_tile_overlayer_lowered  }
0x13: {  	s23 =	simm.s32 $0x1BFF;
	s22 =	sshll.u32 s6, $0x1;
	s3 =	sadd.s32 s4, s20  }
0x14: {  	s7 =	simm.s32 $0x0;
	s21 =	sshll.u32 s5, $0x1;
	s5 =	sadd.s32 s22, s3  }
0x15: {  	[timem:s7], [sflag:s23] =	dma.local [hbm:s5], s21  }
0x16: {  	_ =	swait.ge [sflag:s23], s21  }
0x17: {  	s4 =	ssub.s32 $0x0, s21;
	[sflag:s23] =	ssyncset.done $0x0  }
0x18: {  	[sflag:s23] =	ssyncadd.s32 s4;
	_ =	sdelay $0x1  }
0x19: {  	s24 =	simm.s32 $0x1B8B  }
0x1a: {  	_ =	swait.ge [sflag:s24], $0x1  }
0x1b: {  	[sflag:s24] =	ssyncset.done $0x0  }
0x1c: {  	s26 =	simm.s32 $0x1B8E;
	s25 =	sld [smem:$0x3FFE];
	[sflag:s24] =	ssyncadd.s32 $0xFFFFFFFF  }
0x1d: {  	s27 =	simm.s32 $execute0_lowered;
	[smem:$0x3FD2] =	sst s26  }
0x1e: {  	s5 =	sshll.u32 s27, $0x1;
	_ =	strace $0x80000049;
	[dreg:$0x1] =	wrdreg $0xFFFFFFFF  }
0x1f: {  	s28 =	simm.s32 $_size_execute0_lowered;
	s3 =	sadd.s32 s3, s5;
	[dreg:$0x0] =	wrdreg $0x0  }
0x20: {  	s5 =	sshll.u32 s28, $0x1;
	[dreg:$0x2] =	wrdreg s3  }
0x21: {  	[dreg:$0x3] =	wrdreg s5  }
0x22: {  	[dreg:$0x4] =	wrdreg $0xC0  }
0x23: {  	_ =	task [dreg:s7], $0x5FFFF  }
0x24: {  	[dreg:$0x1] =	wrdreg $0xFFFFFFFF  }
0x25: {  	[dreg:$0x0] =	wrdreg $0x60  }
0x26: {  	[dreg:$0x2] =	wrdreg s25  }
0x27: {  	[dreg:$0x3] =	wrdreg s2  }
0x28: {  	[dreg:$0x4] =	wrdreg $0x9  }
0x29: {  	_ =	task.clear_ibuf [dreg:s7], $0x5FFFF;
	_ =	strace $0x90000049  }
0x2a: {  	s29 =	simm.s32 $0x9;
	_ =	strace $0x8000004B  }
0x2b: {  	_ =	swait.ge [sflag:s29], $0x1  }
0x2c: {  	[sflag:s29] =	ssyncadd.s32 $0xFFFFFFFF  }
0x2d: {  	_ =	strace $0x9000004B  }
0x2e: {  	_ =	sfence  }
0x2f: {  	s30 =	sld [smem:$0x0];
	_ =	sdelay $0x2  }
0x30: {  	s31 =	sshll.u32 s1, $0xD;
	s1 =	sshrl.u32 s1, $0x2  }
0x31: {  	s3 =	sand.u32 $0x4000, s31;
	s1 =	sadd.s32 s1, s30  }
0x32: {  	s0 =	sor.u32 s3, s0;
	s1 =	sshll.u32 s1, $0x11  }
0x33: {  	s0 =	sor.u32 s1, s0  }
0x34: {  	s0 =	sadd.s32 $0x8F2B, s0  }
0x35: {  	[sflag:s0] =	ssyncadd.remote.s32 $0x1  }
0x36: {  	_ =	sfence.sel $0xFFFF  }
0x37: {  	[dreg:$0x0] =	wrdreg $0xFFFFFFFF;
	(pc) =	sbr.abs _section_cstart, $3  }
0x38: {  	[dreg:$0x1] =	wrdreg $0xFFFFFFFF  }
0x39: {  	_ =	task.clear_ibuf [dreg:s7], $0x2FFFF;
	_ =	strace $0x9FFFFFFF  }
0x3a: {  	(tm) =	ssettm $0x7FFFFFFF  }
0x3b: {  	_ =	shalt  }
tec
execute0_lowered:
.L_overlay_start_1:
0x0: {  	(tag) =	ssettag $0x1  }
0x1: {  	s0 =	srdreg.scid  }
0x2: {  	s1 =	sshll.u32 s0, $0x4  }
0x3: {  	s0 =	stileid.u32;
	s1 =	sand.u32 $0x10, s1  }
0x4: {  	s1 =	sor.u32 s0, s1  }
0x5: {  	s6 =	rddreg [dreg:$0x0];
	s4 =	simm.s32 $0x1;
	s2 =	sshll.u32 s1, $0x7  }
0x6: {  	s7 =	simm.s32 $0x2;
	s12 =	simm.s32 $0x0;
	s1 =	ssub.s32 $0x1000, s2  }
0x7: {  	s8 =	simm.s32 $0x8000;
	s13 =	simm.s32 $0x0;
	s3 =	sand.u32 $0xF80, s1  }
0x8: {  	s9 =	simm.s32 $0x0;
	s5 =	sshrl.u32 s1, $0xC;
	p0 =	sne.s32 s3, $0x0  }
.Ltmp0:
0x9: {  	s1 =	rddreg [dreg:$0x2];
	s4 =	simm.s32 @!p0 $0x0;
	(pc) =	sbr.rel .LBB1_1-.Ltmp0, $4  }
0xa: {  	s11 =	simm.s32 $0x0;
	s3 =	rddreg [dreg:$0x1];
	s5 =	sadd.s32 s4, s5  }
0xb: {  	_ =	strace $0x8000004A;
	s4 =	simm.s32 $0x1;
	s5 =	smul.u32 $0xC8, s5  }
0xc: {  	s6 =	sadd.s32 $0xA00, s6;
	s10 =	smov.u32 s2;
	[sflag:s4] =	ssyncpa.u1 $0x0  }
0xd: {  	p0 =	por $0x0, $0x0;
	[sflag:s7] =	ssyncpa.u1 $0x0;
	s7 =	sor.u32 $0x1, s5  }
.LBB1_4:
0xe: {  	s16 =	sshll.u32 s13, $0x3;
	s17 =	sand.u32 $0x78, s13  }
0xf: {  	s30 =	sand.u32 $0x7E00, s13;
	s12 =	sshll.u32 s12, $0xF;
	s16 =	sand.u32 $0xC00, s16  }
0x10: {  	[tilespmem:s15+$0x810 ss:$0x81] =	vst.msk $0xffff, v2;
	s31 =	sand.u32 $0x7, s13;
	s16 =	sor.u32 s17, s16;
	s17 =	sadd.s32 s3, s30  }
0x11: {  	[tilespmem:s15+$0x1020 ss:$0x81] =	vst.msk $0xffff, v0;
	s13 =	sshll.u32 s31, $0x12;
	s12 =	sadd.s32 s12, s17;
	s16 =	sshrl.u32 s16, $0x3  }
0x12: {  	[tilespmem:s15+$0x0 ss:$0x81] =	vst.msk $0xffff, v1;
	s13 =	sor.u32 $0x400, s13;
	s12 =	sadd.s32 s16, s12  }
0x13: {  	[hbm4b:s12+s13] =	stream.strided.scatter [tilespmem:s14], [sflag:$0x2], $0x2000, s8, s13, $0x20;
	[tilespmem:$0x8080] =	vst v63  }
.LBB1_5:
0x14: {  	s14 =	sadd.s32 $0x1, s9  }
0x15: {  	s12 =	sadd.s32 $0x1000, s10;
	s16 =	smov.u32 s10;
	p2 =	sgt.s32 s14, $0xC7  }
0x16: {  	s16 =	smov.u32 @p2 s12  }
0x17: {  	s14 =	simm.s32 @p2 $0x0;
	p2 =	sgt.s32 s16, $0xFFF  }
0x18: {  	s16 =	smov.u32 @p2 s2;
	p2 =	sne.s32 s11, s7  }
.Ltmp1:
0x19: {  	p1 =	slt.u32 s11, $0x2;
	(pc) =	sbr.rel @!p2 .LBB1_6-.Ltmp1, $4  }
0x1a: {  	s15 =	simm.s32 @!p1 $0x2  }
0x1b: {  	s13 =	smov.u32 s10;
	p0 =	por !p0, !p0;
	_ =	swait.ge @!p1 [sflag:s15], $0x2000  }
0x1c: {  	s12 =	smov.u32 s9;
	[sflag:s15] =	ssyncset.done @!p1 $0x0;
	s9 =	smov.u32 s14  }
0x1d: {  	s11 =	sadd.s32 $0x1, s11;
	[sflag:s15] =	ssyncadd.s32 @!p1 $0xFFFFE000;
	s10 =	smov.u32 s16  }
.LBB1_1:
0x1e: {  	p1 =	sge.u32 s11, s5  }
0x1f: {  	s14 =	sand.u32 @!p1 $0x1FFFFFF, s9  }
0x20: {  	s15 =	smulhi.u32 @!p1 $0x147AE15, s14;
	_ =	sdelay $0x1  }
0x21: {  	s15 =	smul.u32 @!p1 $0xC8, s15  }
0x22: {  	s16 =	sxor.u32 @!p1 $0xFFFFFFFF, s11;
	s17 =	smul.u32 @!p1 $0xC80, s10  }
0x23: {  	s31 =	sadd.s32 $0xFFFFFFFF, s11;
	s16 =	sshll.u32 @!p1 s16, $0xD;
	s14 =	ssub.s32 @!p1 s14, s15  }
0x24: {  	s15 =	sand.u32 @!p1 $0x2000, s16;
	s16 =	sadd.s32 @!p1 s6, s17;
	s14 =	sshll.u32 @!p1 s14, $0x4  }
0x25: {  	s17 =	simm.s32 @!p1 $0x6400;
	s14 =	sadd.s32 @!p1 s14, s16;
	s16 =	simm.s32 @!p1 $0x40  }
0x26: {  	[tilespmem:s15], [sflag:$0x1] =	stream.strided.gather @!p1 [hbm4b:s14+s16], $0x2000, s17, s16, $0x38;
	[tilespmem:$0x8080] =	vst v63  }
0x27: {  	p1 =	sge.u32 s31, s5  }
.Ltmp2:
0x28: {  	_ = 	snop;
	(pc) =	sbr.rel @p1 .LBB1_5-.Ltmp2, $1  }
0x29: {  	_ =	sdelay $0x3  }
0x2a: {  	s14 =	simm.s32 $0x1  }
0x2b: {  	_ =	swait.ge [sflag:s4], $0x2000;
	s14 =	simm.s32 @!p0 $0x0  }
0x2c: {  	[sflag:s4] =	ssyncset.done $0x0;
	s15 =	sshll.u32 s14, $0xD  }
0x2d: {  	[sflag:s4] =	ssyncadd.s32 $0xFFFFE000;
	s18 =	sor.u32 $0x20, s15  }
0x2e: {  	s14 =	smul.u32 $0x8100, s14;
	v3 =	vld [tilespmem:s18+$0x10]  }
0x2f: {  	s30 =	sand.u32 $0x1, s11;
	v2 =	vld [tilespmem:s18+$0xFFFFFFF0]  }
0x30: {  	s15 =	smul.u32 $0x8100, s30;
	s14 =	sshrl.u32 s14, $0x2;
	v0 =	vld [tilespmem:s18+$0x0]  }
0x31: {  	v1 =	vld [tilespmem:s18+$0xFFFFFFE0];
	s16 =	sor.u32 $0x4000, s14  }
0x32: {  	s31 =	sshrl.u32 s15, $0x2;
	s15 =	sadd.s32 $0x0, s16  }
0x33: {  	s17 =	simm.s32 $0x4;
	s18 =	sadd.s32 $0x40, s18;
	s14 =	sor.u32 $0x4000, s31;
	[tilespmem:s15+$0x1830 ss:$0x81] =	vst.msk $0xffff, v3  }
.LBB1_3:
0x34: {  	v3 =	vld [tilespmem:s18+$0x10];
	p1 =	sne.s32 s17, $0x1FC;
	[tilespmem:s15+$0x810 ss:$0x81] =	vst.msk $0xffff, v2;
	s19 =	smov.u32 s17;
	s17 =	sadd.s32 $0x4, s17  }
.Ltmp3:
0x35: {  	v2 =	vld [tilespmem:s18+$0xFFFFFFF0];
	[tilespmem:s15+$0x1020 ss:$0x81] =	vst.msk $0xffff, v0;
	(pc) =	sbr.rel @p1 .LBB1_3-.Ltmp3, $4  }
0x36: {  	v0 =	vld [tilespmem:s18+$0x0];
	[tilespmem:s15+$0x0 ss:$0x81] =	vst.msk $0xffff, v1  }
0x37: {  	s15 =	sshra.s32 s19, $0x2;
	v1 =	vld [tilespmem:s18+$0xFFFFFFE0]  }
0x38: {  	s15 =	sadd.s32 s15, s16  }
0x39: {  	s18 =	sadd.s32 $0x40, s18;
	[tilespmem:s15+$0x1830 ss:$0x81] =	vst.msk $0xffff, v3  }
.Ltmp4:
0x3a: {  	_ = 	snop;
	(pc) =	sbr.rel .LBB1_4-.Ltmp4, $1  }
0x3b: {  	_ =	sdelay $0x3  }
.LBB1_6:
0x3c: {  	_ =	sfence.sel $0x180000  }
0x3d: {  	s2 =	simm.s32 $0x1;
	[bflag:$0x0] =	sbarrier.arrive $0xFFFF  }
0x3e: {  	s31 =	simm.s32 $0x2;
	[sflag:s2] =	ssyncpa.u1 $0x1  }
0x3f: {  	[sflag:s31] =	ssyncpa.u1 $0x1  }
0x40: {  	p0 =	sne.s32 s0, $0x0;
	_ =	strace $0x9000004A  }
0x41: {  	s0 =	sadd.s32 @!p0 $0x100000, s1;
	[bflag:$0x2] =	sbarrier.arrive $0xFFFF  }
0x42: {  	[sflag:s0] =	ssyncadd.tile.s32 @!p0 $0x1;
	_ =	shalt  }
.Lfunc_end1:
_tile_overlayer_lowered:
.L_overlay_start_2:
0x43: {  	(tag) =	ssettag $0x2  }
0x44: {  	s0 =	rddreg [dreg:$0x0];
	s2 =	stileid.u32  }
0x45: {  	s1 =	rddreg [dreg:$0x1];
	p0 =	sne.s32 s2, $0x0  }
0x46: {  	s3 =	rddreg [dreg:$0x2];
	[bflag:$0x3] =	sbarrier.arrive $0xFFFF;
	s2 =	simm.s32 @!p0 $0x1C01  }
0x47: {  	[timem:s3], [sflag:s2] =	dma.local @!p0 [hbm:s0], s1  }
0x48: {  	s0 =	simm.s32 @!p0 $0x1  }
0x49: {  	_ =	swait.ge @!p0 [sflag:s0], s1  }
0x4a: {  	s1 =	ssub.s32 @!p0 $0x0, s1;
	[sflag:s0] =	ssyncset.done @!p0 $0x0  }
0x4b: {  	[sflag:s0] =	ssyncadd.s32 @!p0 s1  }
0x4c: {  	[bflag:$0x3] =	sbarrier.arrive $0xFFFF  }
0x4d: {  	_ =	shalt  }

</sc_bundles>
